<compile_context>
chip_gen: v7x
topology: tpu7x:2x2x1
jax: 0.10.2.dev20260603
libtpu: 0.0.44.dev20260713+nightly
codegen_flags: <defaults>
</compile_context>

<pallas_src>
import functools

import jax
import jax.numpy as jnp
from jax import lax
from jax.experimental import pallas as pl
from jax.experimental.pallas import tpu as pltpu
from jax.experimental.pallas import tpu_sc as plsc

VOCAB = 100000
EMB = 128
BATCH = 4096
SEQ = 200

NTOT = BATCH * SEQ
NW = 32
PER_W = NTOT // NW
CHUNK = 128
NCH = PER_W // CHUNK
NBUF = 5
LA = 3
SP_SLOTS = (2,)

assert NCH % NBUF == 0


@functools.cache
def _build_kernel():
    mesh = plsc.VectorSubcoreMesh(core_axis_name="c", subcore_axis_name="s")
    return functools.partial(
        pl.kernel,
        mesh=mesh,
        out_type=jax.ShapeDtypeStruct((NTOT, EMB), jnp.float32),
        scratch_types=[
            pltpu.VMEM((NCH, CHUNK), jnp.int32),
            pltpu.VMEM((NBUF, CHUNK, EMB), jnp.float32),
            pltpu.VMEM_SHARED((16, CHUNK, EMB), jnp.float32),
            pltpu.SemaphoreType.DMA((NBUF,)),
            pltpu.SemaphoreType.DMA((NBUF,)),
            pltpu.SemaphoreType.DMA,
        ],
    )(_embed_body)


def _embed_body(x_hbm, tab_hbm, out_hbm, idx_v, rows_v, sp_stage, gsem, ssem,
                sp_sem):
    sid = lax.axis_index("s")
    wid = sid * 2 + lax.axis_index("c")
    base = wid * PER_W

    pltpu.sync_copy(x_hbm.at[wid], idx_v)

    def gather_start(c, b):
        pltpu.async_copy(
            tab_hbm.at[idx_v.at[c]], rows_v.at[b], gsem.at[b]
        )

    def gather_wait(c, b):
        pltpu.make_async_copy(
            tab_hbm.at[idx_v.at[c]], rows_v.at[b], gsem.at[b]
        ).wait()

    def out_slice(c):
        return out_hbm.at[pl.ds(base + c * CHUNK, CHUNK)]

    def scatter_start(c, b):
        pltpu.async_copy(rows_v.at[b], out_slice(c), ssem.at[b])

    def scatter_wait(c, b):
        pltpu.make_async_copy(rows_v.at[b], out_slice(c), ssem.at[b]).wait()

    def sp_wait(c):
        pltpu.make_async_copy(sp_stage.at[sid], out_slice(c), sp_sem).wait()

    def sp_write(c):
        @pl.when(c > SP_SLOTS[0])
        def _():
            sp_wait(c)

        pltpu.sync_copy(rows_v.at[c % NBUF], sp_stage.at[sid])
        pltpu.async_copy(sp_stage.at[sid], out_slice(c), sp_sem)

    for c in range(LA):
        gather_start(c, c)

    def body(i, _):
        for b0 in range(NBUF):
            c = i * NBUF + b0
            gather_wait(c, b0)
            if b0 in SP_SLOTS:
                sp_write(c)
            else:
                scatter_start(c, b0)
            b2 = (b0 + LA) % NBUF

            if b2 not in SP_SLOTS:
                @pl.when(c + LA - NBUF >= 0)
                def _():
                    scatter_wait(c + LA - NBUF, b2)

            @pl.when(c + LA < NCH)
            def _():
                gather_start(c + LA, b2)

        return 0

    lax.fori_loop(0, NCH // NBUF, body, 0)

    for c in range(NCH - (NBUF - LA), NCH):
        if (c % NBUF) not in SP_SLOTS:
            scatter_wait(c, c % NBUF)
    last_sp = max(c for c in range(NCH) if (c % NBUF) in SP_SLOTS)
    sp_wait(last_sp)


def kernel(x, embed_weight):
    x3 = x.reshape(NW, NCH, CHUNK)
    out = _build_kernel()(x3, embed_weight)
    return out.reshape(BATCH, SEQ, EMB)

# --- scband reference (transcript-rebuilt; emitter-appended) ---
"""Pipeline reference for scband-word-rep-56023553409611 (READ-ONLY COPY).

The authoritative reference and input builder live on the scoring server;
editing this copy changes nothing except your own understanding.
"""

import jax, jax.numpy as jnp
import numpy as np

VOCAB = 100000
EMB_DIM = 128
BATCH = 4096
SEQ = 200

def setup_inputs(seed: int = 0) -> dict:
    key = jax.random.key(seed)
    k1, k2 = jax.random.split(key)
    x = jax.random.randint(k1, (BATCH, SEQ), 0, VOCAB, dtype=jnp.int64 if jax.config.jax_enable_x64 else jnp.int32).astype(jnp.int32)
    embed_weight = jax.random.normal(k2, (VOCAB, EMB_DIM), dtype=jnp.float32)
    # padding_idx=0: row 0 is zeros, matching nn.Embedding(padding_idx=0) init behavior
    embed_weight = embed_weight.at[0].set(0.0)
    return {"x": x, "embed_weight": embed_weight}

def reference(x, embed_weight):
    # features = [self.embed(x)]; x = torch.cat(features, dim=2)  (single-element cat -> identity)
    features = jnp.take(embed_weight, x, axis=0)  # [B, S, D]
    out = features  # cat of one tensor along dim=2
    # embed_drop: dropout in eval mode is identity (deterministic reference)
    return out

if __name__ == "__main__":
    import jax
    _d = setup_inputs()
    print(jax.jit(kernel)(*tuple(_d.values())))

</pallas_src>

<mosaic_0001>
#map = affine_map<(d0, d1) -> (0, 0, 0)>
#map1 = affine_map<(d0, d1) -> (0, 0)>
module attributes {stable_mosaic.version = 14 : i64} {
  func.func @_embed_body(%arg0: i32, %arg1: i32, %arg2: memref<32x200x128xi32, #tpu.memory_space<hbm>>, %arg3: memref<100000x128xf32, #tpu.memory_space<hbm>>, %arg4: memref<819200x128xf32, #tpu.memory_space<hbm>>, %arg5: memref<200x128xi32, #tpu.memory_space<vmem>>, %arg6: memref<5x128x128xf32, #tpu.memory_space<vmem>>, %arg7: memref<16x128x128xf32, #tpu.memory_space<vmem_shared>>, %arg8: memref<5x!tpu.dma_semaphore, #tpu.memory_space<semaphore_mem>>, %arg9: memref<5x!tpu.dma_semaphore, #tpu.memory_space<semaphore_mem>>, %arg10: memref<!tpu.dma_semaphore, #tpu.memory_space<semaphore_mem>>) attributes {dimension_semantics = [#tpu.dimension_semantics<core_parallel>, #tpu.dimension_semantics<subcore_parallel>], iteration_bounds = array<i64: 2, 16>, scalar_prefetch = 0 : i64, scratch_operands = 6 : i64, tpu.core_type = #tpu.core_type<sc_vector_subcore>, window_params = [{transform_indices = #map}, {transform_indices = #map1}, {transform_indices = #map1}]} {
    %mul3A = arith.constant 2 : i32
    %mul3A_0 = arith.muli %arg1, %mul3A : i32
    %add3A = arith.addi %mul3A_0, %arg0 : i32
    %mul3A_1 = arith.constant 25600 : i32
    %mul3A_2 = arith.muli %add3A, %mul3A_1 : i32
    "tpu.region"() ({
      %run_scoped3A = tpu.sem_alloc : memref<!tpu.dma_semaphore, #tpu.memory_space<semaphore_mem>>
      %dma_start3A_96 = arith.constant 0 : i32
      %dma_start3A_97 = arith.constant 0 : i32
      %dma_start3A_98 = tpu.memref_slice %arg2[%add3A, %dma_start3A_96, %dma_start3A_97] : memref<32x200x128xi32, #tpu.memory_space<hbm>> -> memref<1x200x128xi32, #tpu.memory_space<hbm>>
      %dma_start3A_99 = tpu.memref_squeeze %dma_start3A_98 : memref<1x200x128xi32, #tpu.memory_space<hbm>> -> memref<200x128xi32, #tpu.memory_space<hbm>>
      %dma_start3A_100 = arith.constant 0 : i32
      %dma_start3A_101 = arith.constant 0 : i32
      %dma_start3A_102 = tpu.memref_slice %arg2[%add3A, %dma_start3A_100, %dma_start3A_101] : memref<32x200x128xi32, #tpu.memory_space<hbm>> -> memref<1x200x128xi32, #tpu.memory_space<hbm>>
      %dma_start3A_103 = tpu.memref_squeeze %dma_start3A_102 : memref<1x200x128xi32, #tpu.memory_space<hbm>> -> memref<200x128xi32, #tpu.memory_space<hbm>>
      tpu.enqueue_dma source(%dma_start3A_103 : memref<200x128xi32, #tpu.memory_space<hbm>>) target(%arg5 : memref<200x128xi32, #tpu.memory_space<vmem>>) target_semaphore(%run_scoped3A : memref<!tpu.dma_semaphore, #tpu.memory_space<semaphore_mem>>)
      %dma_wait3A_104 = arith.constant 0 : i32
      %dma_wait3A_105 = arith.constant 0 : i32
      %dma_wait3A_106 = tpu.memref_slice %arg2[%add3A, %dma_wait3A_104, %dma_wait3A_105] : memref<32x200x128xi32, #tpu.memory_space<hbm>> -> memref<1x200x128xi32, #tpu.memory_space<hbm>>
      %dma_wait3A_107 = tpu.memref_squeeze %dma_wait3A_106 : memref<1x200x128xi32, #tpu.memory_space<hbm>> -> memref<200x128xi32, #tpu.memory_space<hbm>>
      %dma_wait3A_108 = arith.constant 0 : i32
      %dma_wait3A_109 = arith.constant 0 : i32
      %dma_wait3A_110 = tpu.memref_slice %arg2[%add3A, %dma_wait3A_108, %dma_wait3A_109] : memref<32x200x128xi32, #tpu.memory_space<hbm>> -> memref<1x200x128xi32, #tpu.memory_space<hbm>>
      %dma_wait3A_111 = tpu.memref_squeeze %dma_wait3A_110 : memref<1x200x128xi32, #tpu.memory_space<hbm>> -> memref<200x128xi32, #tpu.memory_space<hbm>>
      tpu.wait_dma2 semaphore(%run_scoped3A : memref<!tpu.dma_semaphore, #tpu.memory_space<semaphore_mem>>) src(%dma_wait3A_111 : memref<200x128xi32, #tpu.memory_space<hbm>>) dst(%arg5 : memref<200x128xi32, #tpu.memory_space<vmem>>)
      tpu.yield
    }) : () -> ()
    %dma_start3A = arith.constant 0 : i32
    %dma_start3A_3 = arith.constant 0 : i32
    %dma_start3A_4 = arith.constant 0 : i32
    %dma_start3A_5 = arith.constant 0 : i32
    %dma_start3A_6 = arith.constant 0 : i32
    %dma_start3A_7 = tpu.memref_slice %arg6[%dma_start3A_3, %dma_start3A_5, %dma_start3A_6] : memref<5x128x128xf32, #tpu.memory_space<vmem>> -> memref<1x128x128xf32, #tpu.memory_space<vmem>>
    %dma_start3A_8 = tpu.memref_squeeze %dma_start3A_7 : memref<1x128x128xf32, #tpu.memory_space<vmem>> -> memref<128x128xf32, #tpu.memory_space<vmem>>
    %dma_start3A_9 = arith.constant 0 : i32
    %dma_start3A_10 = tpu.memref_slice %arg5[%dma_start3A, %dma_start3A_9] : memref<200x128xi32, #tpu.memory_space<vmem>> -> memref<1x128xi32, #tpu.memory_space<vmem>>
    %dma_start3A_11 = tpu.memref_squeeze %dma_start3A_10 : memref<1x128xi32, #tpu.memory_space<vmem>> -> memref<128xi32, #tpu.memory_space<vmem>>
    %dma_start3A_12 = arith.constant 0 : i32
    %dma_start3A_13 = arith.constant 0 : i32
    %dma_start3A_14 = tpu.memref_slice %arg3[%dma_start3A_12, %dma_start3A_13] : memref<100000x128xf32, #tpu.memory_space<hbm>> -> memref<100000x128xf32, #tpu.memory_space<hbm>>
    %dma_start3A_15 = tpu.memref_slice %arg8[%dma_start3A_4] : memref<5x!tpu.dma_semaphore, #tpu.memory_space<semaphore_mem>> -> memref<1x!tpu.dma_semaphore, #tpu.memory_space<semaphore_mem>>
    %dma_start3A_16 = tpu.memref_squeeze %dma_start3A_15 : memref<1x!tpu.dma_semaphore, #tpu.memory_space<semaphore_mem>> -> memref<!tpu.dma_semaphore, #tpu.memory_space<semaphore_mem>>
    tpu.enqueue_indirect_dma source(%dma_start3A_14 : memref<100000x128xf32, #tpu.memory_space<hbm>>) target(%dma_start3A_8 : memref<128x128xf32, #tpu.memory_space<vmem>>) offsets(%dma_start3A_11 : memref<128xi32, #tpu.memory_space<vmem>>) semaphore(%dma_start3A_16 : memref<!tpu.dma_semaphore, #tpu.memory_space<semaphore_mem>>)
    %dma_start3A_17 = arith.constant 1 : i32
    %dma_start3A_18 = arith.constant 1 : i32
    %dma_start3A_19 = arith.constant 1 : i32
    %dma_start3A_20 = arith.constant 0 : i32
    %dma_start3A_21 = arith.constant 0 : i32
    %dma_start3A_22 = tpu.memref_slice %arg6[%dma_start3A_18, %dma_start3A_20, %dma_start3A_21] : memref<5x128x128xf32, #tpu.memory_space<vmem>> -> memref<1x128x128xf32, #tpu.memory_space<vmem>>
    %dma_start3A_23 = tpu.memref_squeeze %dma_start3A_22 : memref<1x128x128xf32, #tpu.memory_space<vmem>> -> memref<128x128xf32, #tpu.memory_space<vmem>>
    %dma_start3A_24 = arith.constant 0 : i32
    %dma_start3A_25 = tpu.memref_slice %arg5[%dma_start3A_17, %dma_start3A_24] : memref<200x128xi32, #tpu.memory_space<vmem>> -> memref<1x128xi32, #tpu.memory_space<vmem>>
    %dma_start3A_26 = tpu.memref_squeeze %dma_start3A_25 : memref<1x128xi32, #tpu.memory_space<vmem>> -> memref<128xi32, #tpu.memory_space<vmem>>
    %dma_start3A_27 = arith.constant 0 : i32
    %dma_start3A_28 = arith.constant 0 : i32
    %dma_start3A_29 = tpu.memref_slice %arg3[%dma_start3A_27, %dma_start3A_28] : memref<100000x128xf32, #tpu.memory_space<hbm>> -> memref<100000x128xf32, #tpu.memory_space<hbm>>
    %dma_start3A_30 = tpu.memref_slice %arg8[%dma_start3A_19] : memref<5x!tpu.dma_semaphore, #tpu.memory_space<semaphore_mem>> -> memref<1x!tpu.dma_semaphore, #tpu.memory_space<semaphore_mem>>
    %dma_start3A_31 = tpu.memref_squeeze %dma_start3A_30 : memref<1x!tpu.dma_semaphore, #tpu.memory_space<semaphore_mem>> -> memref<!tpu.dma_semaphore, #tpu.memory_space<semaphore_mem>>
    tpu.enqueue_indirect_dma source(%dma_start3A_29 : memref<100000x128xf32, #tpu.memory_space<hbm>>) target(%dma_start3A_23 : memref<128x128xf32, #tpu.memory_space<vmem>>) offsets(%dma_start3A_26 : memref<128xi32, #tpu.memory_space<vmem>>) semaphore(%dma_start3A_31 : memref<!tpu.dma_semaphore, #tpu.memory_space<semaphore_mem>>)
    %dma_start3A_32 = arith.constant 2 : i32
    %dma_start3A_33 = arith.constant 2 : i32
    %dma_start3A_34 = arith.constant 2 : i32
    %dma_start3A_35 = arith.constant 0 : i32
    %dma_start3A_36 = arith.constant 0 : i32
    %dma_start3A_37 = tpu.memref_slice %arg6[%dma_start3A_33, %dma_start3A_35, %dma_start3A_36] : memref<5x128x128xf32, #tpu.memory_space<vmem>> -> memref<1x128x128xf32, #tpu.memory_space<vmem>>
    %dma_start3A_38 = tpu.memref_squeeze %dma_start3A_37 : memref<1x128x128xf32, #tpu.memory_space<vmem>> -> memref<128x128xf32, #tpu.memory_space<vmem>>
    %dma_start3A_39 = arith.constant 0 : i32
    %dma_start3A_40 = tpu.memref_slice %arg5[%dma_start3A_32, %dma_start3A_39] : memref<200x128xi32, #tpu.memory_space<vmem>> -> memref<1x128xi32, #tpu.memory_space<vmem>>
    %dma_start3A_41 = tpu.memref_squeeze %dma_start3A_40 : memref<1x128xi32, #tpu.memory_space<vmem>> -> memref<128xi32, #tpu.memory_space<vmem>>
    %dma_start3A_42 = arith.constant 0 : i32
    %dma_start3A_43 = arith.constant 0 : i32
    %dma_start3A_44 = tpu.memref_slice %arg3[%dma_start3A_42, %dma_start3A_43] : memref<100000x128xf32, #tpu.memory_space<hbm>> -> memref<100000x128xf32, #tpu.memory_space<hbm>>
    %dma_start3A_45 = tpu.memref_slice %arg8[%dma_start3A_34] : memref<5x!tpu.dma_semaphore, #tpu.memory_space<semaphore_mem>> -> memref<1x!tpu.dma_semaphore, #tpu.memory_space<semaphore_mem>>
    %dma_start3A_46 = tpu.memref_squeeze %dma_start3A_45 : memref<1x!tpu.dma_semaphore, #tpu.memory_space<semaphore_mem>> -> memref<!tpu.dma_semaphore, #tpu.memory_space<semaphore_mem>>
    tpu.enqueue_indirect_dma source(%dma_start3A_44 : memref<100000x128xf32, #tpu.memory_space<hbm>>) target(%dma_start3A_38 : memref<128x128xf32, #tpu.memory_space<vmem>>) offsets(%dma_start3A_41 : memref<128xi32, #tpu.memory_space<vmem>>) semaphore(%dma_start3A_46 : memref<!tpu.dma_semaphore, #tpu.memory_space<semaphore_mem>>)
    %scan3A = arith.constant 0 : i32
    %scan3A_47 = arith.constant 0 : i32
    %scan3A_48 = arith.constant 40 : i32
    %scan3A_49 = arith.addi %scan3A_47, %scan3A_48 : i32
    %scan3A_50 = arith.constant 1 : i32
    %scan3A_51 = scf.for %scan3A_96 = %scan3A_47 to %scan3A_49 step %scan3A_50 iter_args(%scan3A_97 = %scan3A) -> (i32)  : i32 {
      %mul3A_98 = arith.constant 5 : i32
      %mul3A_99 = arith.muli %scan3A_96, %mul3A_98 : i32
      %add3A_100 = arith.constant 0 : i32
      %add3A_101 = arith.addi %mul3A_99, %add3A_100 : i32
      %dma_wait3A_102 = arith.constant 0 : i32
      %dma_wait3A_103 = arith.constant 0 : i32
      %dma_wait3A_104 = arith.constant 0 : i32
      %dma_wait3A_105 = arith.constant 0 : i32
      %dma_wait3A_106 = tpu.memref_slice %arg6[%dma_wait3A_102, %dma_wait3A_104, %dma_wait3A_105] : memref<5x128x128xf32, #tpu.memory_space<vmem>> -> memref<1x128x128xf32, #tpu.memory_space<vmem>>
      %dma_wait3A_107 = tpu.memref_squeeze %dma_wait3A_106 : memref<1x128x128xf32, #tpu.memory_space<vmem>> -> memref<128x128xf32, #tpu.memory_space<vmem>>
      %dma_wait3A_108 = arith.constant 0 : i32
      %dma_wait3A_109 = tpu.memref_slice %arg5[%add3A_101, %dma_wait3A_108] : memref<200x128xi32, #tpu.memory_space<vmem>> -> memref<1x128xi32, #tpu.memory_space<vmem>>
      %dma_wait3A_110 = tpu.memref_squeeze %dma_wait3A_109 : memref<1x128xi32, #tpu.memory_space<vmem>> -> memref<128xi32, #tpu.memory_space<vmem>>
      %dma_wait3A_111 = arith.constant 0 : i32
      %dma_wait3A_112 = arith.constant 0 : i32
      %dma_wait3A_113 = tpu.memref_slice %arg3[%dma_wait3A_111, %dma_wait3A_112] : memref<100000x128xf32, #tpu.memory_space<hbm>> -> memref<100000x128xf32, #tpu.memory_space<hbm>>
      %dma_wait3A_114 = tpu.memref_slice %arg8[%dma_wait3A_103] : memref<5x!tpu.dma_semaphore, #tpu.memory_space<semaphore_mem>> -> memref<1x!tpu.dma_semaphore, #tpu.memory_space<semaphore_mem>>
      %dma_wait3A_115 = tpu.memref_squeeze %dma_wait3A_114 : memref<1x!tpu.dma_semaphore, #tpu.memory_space<semaphore_mem>> -> memref<!tpu.dma_semaphore, #tpu.memory_space<semaphore_mem>>
      tpu.wait_indirect_dma semaphore(%dma_wait3A_115 : memref<!tpu.dma_semaphore, #tpu.memory_space<semaphore_mem>>) src(%dma_wait3A_113 : memref<100000x128xf32, #tpu.memory_space<hbm>>) dst(%dma_wait3A_107 : memref<128x128xf32, #tpu.memory_space<vmem>>)
      %mul3A_116 = arith.constant 128 : i32
      %mul3A_117 = arith.muli %add3A_101, %mul3A_116 : i32
      %add3A_118 = arith.addi %mul3A_2, %mul3A_117 : i32
      %dma_start3A_119 = arith.constant 0 : i32
      %dma_start3A_120 = arith.constant 0 : i32
      %dma_start3A_121 = arith.constant 0 : i32
      %dma_start3A_122 = arith.constant 0 : i32
      %dma_start3A_123 = tpu.memref_slice %arg6[%dma_start3A_119, %dma_start3A_121, %dma_start3A_122] : memref<5x128x128xf32, #tpu.memory_space<vmem>> -> memref<1x128x128xf32, #tpu.memory_space<vmem>>
      %dma_start3A_124 = tpu.memref_squeeze %dma_start3A_123 : memref<1x128x128xf32, #tpu.memory_space<vmem>> -> memref<128x128xf32, #tpu.memory_space<vmem>>
      %dma_start3A_125 = arith.constant 0 : i32
      %dma_start3A_126 = tpu.memref_slice %arg4[%add3A_118, %dma_start3A_125] : memref<819200x128xf32, #tpu.memory_space<hbm>> -> memref<128x128xf32, #tpu.memory_space<hbm>>
      %dma_start3A_127 = tpu.memref_slice %arg9[%dma_start3A_120] : memref<5x!tpu.dma_semaphore, #tpu.memory_space<semaphore_mem>> -> memref<1x!tpu.dma_semaphore, #tpu.memory_space<semaphore_mem>>
      %dma_start3A_128 = tpu.memref_squeeze %dma_start3A_127 : memref<1x!tpu.dma_semaphore, #tpu.memory_space<semaphore_mem>> -> memref<!tpu.dma_semaphore, #tpu.memory_space<semaphore_mem>>
      %dma_start3A_129 = arith.constant 0 : i32
      %dma_start3A_130 = tpu.memref_slice %arg4[%add3A_118, %dma_start3A_129] : memref<819200x128xf32, #tpu.memory_space<hbm>> -> memref<128x128xf32, #tpu.memory_space<hbm>>
      %dma_start3A_131 = arith.constant 0 : i32
      %dma_start3A_132 = arith.constant 0 : i32
      %dma_start3A_133 = tpu.memref_slice %arg6[%dma_start3A_119, %dma_start3A_131, %dma_start3A_132] : memref<5x128x128xf32, #tpu.memory_space<vmem>> -> memref<1x128x128xf32, #tpu.memory_space<vmem>>
      %dma_start3A_134 = tpu.memref_squeeze %dma_start3A_133 : memref<1x128x128xf32, #tpu.memory_space<vmem>> -> memref<128x128xf32, #tpu.memory_space<vmem>>
      tpu.enqueue_dma source(%dma_start3A_134 : memref<128x128xf32, #tpu.memory_space<vmem>>) target(%dma_start3A_130 : memref<128x128xf32, #tpu.memory_space<hbm>>) target_semaphore(%dma_start3A_128 : memref<!tpu.dma_semaphore, #tpu.memory_space<semaphore_mem>>)
      %add3A_135 = arith.constant 3 : i32
      %add3A_136 = arith.addi %add3A_101, %add3A_135 : i32
      %sub3A = arith.constant 5 : i32
      %sub3A_137 = arith.subi %add3A_136, %sub3A : i32
      %ge3A = arith.constant 0 : i32
      %ge3A_138 = arith.cmpi sge, %sub3A_137, %ge3A : i32
      %convert_element_type3A = arith.extui %ge3A_138 : i1 to i32
      %cond3A = arith.constant 0 : i32
      %cond3A_139 = arith.cmpi ne, %convert_element_type3A, %cond3A : i32
      scf.if %cond3A_139 {
        %add3A_354 = arith.constant 3 : i32
        %add3A_355 = arith.addi %add3A_101, %add3A_354 : i32
        %sub3A_356 = arith.constant 5 : i32
        %sub3A_357 = arith.subi %add3A_355, %sub3A_356 : i32
        %mul3A_358 = arith.constant 128 : i32
        %mul3A_359 = arith.muli %sub3A_357, %mul3A_358 : i32
        %add3A_360 = arith.addi %mul3A_2, %mul3A_359 : i32
        %dma_wait3A_361 = arith.constant 3 : i32
        %dma_wait3A_362 = arith.constant 3 : i32
        %dma_wait3A_363 = arith.constant 0 : i32
        %dma_wait3A_364 = arith.constant 0 : i32
        %dma_wait3A_365 = tpu.memref_slice %arg6[%dma_wait3A_361, %dma_wait3A_363, %dma_wait3A_364] : memref<5x128x128xf32, #tpu.memory_space<vmem>> -> memref<1x128x128xf32, #tpu.memory_space<vmem>>
        %dma_wait3A_366 = tpu.memref_squeeze %dma_wait3A_365 : memref<1x128x128xf32, #tpu.memory_space<vmem>> -> memref<128x128xf32, #tpu.memory_space<vmem>>
        %dma_wait3A_367 = arith.constant 0 : i32
        %dma_wait3A_368 = tpu.memref_slice %arg4[%add3A_360, %dma_wait3A_367] : memref<819200x128xf32, #tpu.memory_space<hbm>> -> memref<128x128xf32, #tpu.memory_space<hbm>>
        %dma_wait3A_369 = tpu.memref_slice %arg9[%dma_wait3A_362] : memref<5x!tpu.dma_semaphore, #tpu.memory_space<semaphore_mem>> -> memref<1x!tpu.dma_semaphore, #tpu.memory_space<semaphore_mem>>
        %dma_wait3A_370 = tpu.memref_squeeze %dma_wait3A_369 : memref<1x!tpu.dma_semaphore, #tpu.memory_space<semaphore_mem>> -> memref<!tpu.dma_semaphore, #tpu.memory_space<semaphore_mem>>
        %dma_wait3A_371 = arith.constant 0 : i32
        %dma_wait3A_372 = tpu.memref_slice %arg4[%add3A_360, %dma_wait3A_371] : memref<819200x128xf32, #tpu.memory_space<hbm>> -> memref<128x128xf32, #tpu.memory_space<hbm>>
        %dma_wait3A_373 = arith.constant 0 : i32
        %dma_wait3A_374 = arith.constant 0 : i32
        %dma_wait3A_375 = tpu.memref_slice %arg6[%dma_wait3A_361, %dma_wait3A_373, %dma_wait3A_374] : memref<5x128x128xf32, #tpu.memory_space<vmem>> -> memref<1x128x128xf32, #tpu.memory_space<vmem>>
        %dma_wait3A_376 = tpu.memref_squeeze %dma_wait3A_375 : memref<1x128x128xf32, #tpu.memory_space<vmem>> -> memref<128x128xf32, #tpu.memory_space<vmem>>
        tpu.wait_dma2 semaphore(%dma_wait3A_370 : memref<!tpu.dma_semaphore, #tpu.memory_space<semaphore_mem>>) src(%dma_wait3A_376 : memref<128x128xf32, #tpu.memory_space<vmem>>) dst(%dma_wait3A_372 : memref<128x128xf32, #tpu.memory_space<hbm>>)
      } else {
      }
      %add3A_140 = arith.constant 3 : i32
      %add3A_141 = arith.addi %add3A_101, %add3A_140 : i32
      %lt3A = arith.constant 200 : i32
      %lt3A_142 = arith.cmpi slt, %add3A_141, %lt3A : i32
      %convert_element_type3A_143 = arith.extui %lt3A_142 : i1 to i32
      %cond3A_144 = arith.constant 0 : i32
      %cond3A_145 = arith.cmpi ne, %convert_element_type3A_143, %cond3A_144 : i32
      scf.if %cond3A_145 {
        %add3A_354 = arith.constant 3 : i32
        %add3A_355 = arith.addi %add3A_101, %add3A_354 : i32
        %dma_start3A_356 = arith.constant 3 : i32
        %dma_start3A_357 = arith.constant 3 : i32
        %dma_start3A_358 = arith.constant 0 : i32
        %dma_start3A_359 = arith.constant 0 : i32
        %dma_start3A_360 = tpu.memref_slice %arg6[%dma_start3A_356, %dma_start3A_358, %dma_start3A_359] : memref<5x128x128xf32, #tpu.memory_space<vmem>> -> memref<1x128x128xf32, #tpu.memory_space<vmem>>
        %dma_start3A_361 = tpu.memref_squeeze %dma_start3A_360 : memref<1x128x128xf32, #tpu.memory_space<vmem>> -> memref<128x128xf32, #tpu.memory_space<vmem>>
        %dma_start3A_362 = arith.constant 0 : i32
        %dma_start3A_363 = tpu.memref_slice %arg5[%add3A_355, %dma_start3A_362] : memref<200x128xi32, #tpu.memory_space<vmem>> -> memref<1x128xi32, #tpu.memory_space<vmem>>
        %dma_start3A_364 = tpu.memref_squeeze %dma_start3A_363 : memref<1x128xi32, #tpu.memory_space<vmem>> -> memref<128xi32, #tpu.memory_space<vmem>>
        %dma_start3A_365 = arith.constant 0 : i32
        %dma_start3A_366 = arith.constant 0 : i32
        %dma_start3A_367 = tpu.memref_slice %arg3[%dma_start3A_365, %dma_start3A_366] : memref<100000x128xf32, #tpu.memory_space<hbm>> -> memref<100000x128xf32, #tpu.memory_space<hbm>>
        %dma_start3A_368 = tpu.memref_slice %arg8[%dma_start3A_357] : memref<5x!tpu.dma_semaphore, #tpu.memory_space<semaphore_mem>> -> memref<1x!tpu.dma_semaphore, #tpu.memory_space<semaphore_mem>>
        %dma_start3A_369 = tpu.memref_squeeze %dma_start3A_368 : memref<1x!tpu.dma_semaphore, #tpu.memory_space<semaphore_mem>> -> memref<!tpu.dma_semaphore, #tpu.memory_space<semaphore_mem>>
        tpu.enqueue_indirect_dma source(%dma_start3A_367 : memref<100000x128xf32, #tpu.memory_space<hbm>>) target(%dma_start3A_361 : memref<128x128xf32, #tpu.memory_space<vmem>>) offsets(%dma_start3A_364 : memref<128xi32, #tpu.memory_space<vmem>>) semaphore(%dma_start3A_369 : memref<!tpu.dma_semaphore, #tpu.memory_space<semaphore_mem>>)
      } else {
      }
      %mul3A_146 = arith.constant 5 : i32
      %mul3A_147 = arith.muli %scan3A_96, %mul3A_146 : i32
      %add3A_148 = arith.constant 1 : i32
      %add3A_149 = arith.addi %mul3A_147, %add3A_148 : i32
      %dma_wait3A_150 = arith.constant 1 : i32
      %dma_wait3A_151 = arith.constant 1 : i32
      %dma_wait3A_152 = arith.constant 0 : i32
      %dma_wait3A_153 = arith.constant 0 : i32
      %dma_wait3A_154 = tpu.memref_slice %arg6[%dma_wait3A_150, %dma_wait3A_152, %dma_wait3A_153] : memref<5x128x128xf32, #tpu.memory_space<vmem>> -> memref<1x128x128xf32, #tpu.memory_space<vmem>>
      %dma_wait3A_155 = tpu.memref_squeeze %dma_wait3A_154 : memref<1x128x128xf32, #tpu.memory_space<vmem>> -> memref<128x128xf32, #tpu.memory_space<vmem>>
      %dma_wait3A_156 = arith.constant 0 : i32
      %dma_wait3A_157 = tpu.memref_slice %arg5[%add3A_149, %dma_wait3A_156] : memref<200x128xi32, #tpu.memory_space<vmem>> -> memref<1x128xi32, #tpu.memory_space<vmem>>
      %dma_wait3A_158 = tpu.memref_squeeze %dma_wait3A_157 : memref<1x128xi32, #tpu.memory_space<vmem>> -> memref<128xi32, #tpu.memory_space<vmem>>
      %dma_wait3A_159 = arith.constant 0 : i32
      %dma_wait3A_160 = arith.constant 0 : i32
      %dma_wait3A_161 = tpu.memref_slice %arg3[%dma_wait3A_159, %dma_wait3A_160] : memref<100000x128xf32, #tpu.memory_space<hbm>> -> memref<100000x128xf32, #tpu.memory_space<hbm>>
      %dma_wait3A_162 = tpu.memref_slice %arg8[%dma_wait3A_151] : memref<5x!tpu.dma_semaphore, #tpu.memory_space<semaphore_mem>> -> memref<1x!tpu.dma_semaphore, #tpu.memory_space<semaphore_mem>>
      %dma_wait3A_163 = tpu.memref_squeeze %dma_wait3A_162 : memref<1x!tpu.dma_semaphore, #tpu.memory_space<semaphore_mem>> -> memref<!tpu.dma_semaphore, #tpu.memory_space<semaphore_mem>>
      tpu.wait_indirect_dma semaphore(%dma_wait3A_163 : memref<!tpu.dma_semaphore, #tpu.memory_space<semaphore_mem>>) src(%dma_wait3A_161 : memref<100000x128xf32, #tpu.memory_space<hbm>>) dst(%dma_wait3A_155 : memref<128x128xf32, #tpu.memory_space<vmem>>)
      %mul3A_164 = arith.constant 128 : i32
      %mul3A_165 = arith.muli %add3A_149, %mul3A_164 : i32
      %add3A_166 = arith.addi %mul3A_2, %mul3A_165 : i32
      %dma_start3A_167 = arith.constant 1 : i32
      %dma_start3A_168 = arith.constant 1 : i32
      %dma_start3A_169 = arith.constant 0 : i32
      %dma_start3A_170 = arith.constant 0 : i32
      %dma_start3A_171 = tpu.memref_slice %arg6[%dma_start3A_167, %dma_start3A_169, %dma_start3A_170] : memref<5x128x128xf32, #tpu.memory_space<vmem>> -> memref<1x128x128xf32, #tpu.memory_space<vmem>>
      %dma_start3A_172 = tpu.memref_squeeze %dma_start3A_171 : memref<1x128x128xf32, #tpu.memory_space<vmem>> -> memref<128x128xf32, #tpu.memory_space<vmem>>
      %dma_start3A_173 = arith.constant 0 : i32
      %dma_start3A_174 = tpu.memref_slice %arg4[%add3A_166, %dma_start3A_173] : memref<819200x128xf32, #tpu.memory_space<hbm>> -> memref<128x128xf32, #tpu.memory_space<hbm>>
      %dma_start3A_175 = tpu.memref_slice %arg9[%dma_start3A_168] : memref<5x!tpu.dma_semaphore, #tpu.memory_space<semaphore_mem>> -> memref<1x!tpu.dma_semaphore, #tpu.memory_space<semaphore_mem>>
      %dma_start3A_176 = tpu.memref_squeeze %dma_start3A_175 : memref<1x!tpu.dma_semaphore, #tpu.memory_space<semaphore_mem>> -> memref<!tpu.dma_semaphore, #tpu.memory_space<semaphore_mem>>
      %dma_start3A_177 = arith.constant 0 : i32
      %dma_start3A_178 = tpu.memref_slice %arg4[%add3A_166, %dma_start3A_177] : memref<819200x128xf32, #tpu.memory_space<hbm>> -> memref<128x128xf32, #tpu.memory_space<hbm>>
      %dma_start3A_179 = arith.constant 0 : i32
      %dma_start3A_180 = arith.constant 0 : i32
      %dma_start3A_181 = tpu.memref_slice %arg6[%dma_start3A_167, %dma_start3A_179, %dma_start3A_180] : memref<5x128x128xf32, #tpu.memory_space<vmem>> -> memref<1x128x128xf32, #tpu.memory_space<vmem>>
      %dma_start3A_182 = tpu.memref_squeeze %dma_start3A_181 : memref<1x128x128xf32, #tpu.memory_space<vmem>> -> memref<128x128xf32, #tpu.memory_space<vmem>>
      tpu.enqueue_dma source(%dma_start3A_182 : memref<128x128xf32, #tpu.memory_space<vmem>>) target(%dma_start3A_178 : memref<128x128xf32, #tpu.memory_space<hbm>>) target_semaphore(%dma_start3A_176 : memref<!tpu.dma_semaphore, #tpu.memory_space<semaphore_mem>>)
      %add3A_183 = arith.constant 3 : i32
      %add3A_184 = arith.addi %add3A_149, %add3A_183 : i32
      %sub3A_185 = arith.constant 5 : i32
      %sub3A_186 = arith.subi %add3A_184, %sub3A_185 : i32
      %ge3A_187 = arith.constant 0 : i32
      %ge3A_188 = arith.cmpi sge, %sub3A_186, %ge3A_187 : i32
      %convert_element_type3A_189 = arith.extui %ge3A_188 : i1 to i32
      %cond3A_190 = arith.constant 0 : i32
      %cond3A_191 = arith.cmpi ne, %convert_element_type3A_189, %cond3A_190 : i32
      scf.if %cond3A_191 {
        %add3A_354 = arith.constant 3 : i32
        %add3A_355 = arith.addi %add3A_149, %add3A_354 : i32
        %sub3A_356 = arith.constant 5 : i32
        %sub3A_357 = arith.subi %add3A_355, %sub3A_356 : i32
        %mul3A_358 = arith.constant 128 : i32
        %mul3A_359 = arith.muli %sub3A_357, %mul3A_358 : i32
        %add3A_360 = arith.addi %mul3A_2, %mul3A_359 : i32
        %dma_wait3A_361 = arith.constant 4 : i32
        %dma_wait3A_362 = arith.constant 4 : i32
        %dma_wait3A_363 = arith.constant 0 : i32
        %dma_wait3A_364 = arith.constant 0 : i32
        %dma_wait3A_365 = tpu.memref_slice %arg6[%dma_wait3A_361, %dma_wait3A_363, %dma_wait3A_364] : memref<5x128x128xf32, #tpu.memory_space<vmem>> -> memref<1x128x128xf32, #tpu.memory_space<vmem>>
        %dma_wait3A_366 = tpu.memref_squeeze %dma_wait3A_365 : memref<1x128x128xf32, #tpu.memory_space<vmem>> -> memref<128x128xf32, #tpu.memory_space<vmem>>
        %dma_wait3A_367 = arith.constant 0 : i32
        %dma_wait3A_368 = tpu.memref_slice %arg4[%add3A_360, %dma_wait3A_367] : memref<819200x128xf32, #tpu.memory_space<hbm>> -> memref<128x128xf32, #tpu.memory_space<hbm>>
        %dma_wait3A_369 = tpu.memref_slice %arg9[%dma_wait3A_362] : memref<5x!tpu.dma_semaphore, #tpu.memory_space<semaphore_mem>> -> memref<1x!tpu.dma_semaphore, #tpu.memory_space<semaphore_mem>>
        %dma_wait3A_370 = tpu.memref_squeeze %dma_wait3A_369 : memref<1x!tpu.dma_semaphore, #tpu.memory_space<semaphore_mem>> -> memref<!tpu.dma_semaphore, #tpu.memory_space<semaphore_mem>>
        %dma_wait3A_371 = arith.constant 0 : i32
        %dma_wait3A_372 = tpu.memref_slice %arg4[%add3A_360, %dma_wait3A_371] : memref<819200x128xf32, #tpu.memory_space<hbm>> -> memref<128x128xf32, #tpu.memory_space<hbm>>
        %dma_wait3A_373 = arith.constant 0 : i32
        %dma_wait3A_374 = arith.constant 0 : i32
        %dma_wait3A_375 = tpu.memref_slice %arg6[%dma_wait3A_361, %dma_wait3A_373, %dma_wait3A_374] : memref<5x128x128xf32, #tpu.memory_space<vmem>> -> memref<1x128x128xf32, #tpu.memory_space<vmem>>
        %dma_wait3A_376 = tpu.memref_squeeze %dma_wait3A_375 : memref<1x128x128xf32, #tpu.memory_space<vmem>> -> memref<128x128xf32, #tpu.memory_space<vmem>>
        tpu.wait_dma2 semaphore(%dma_wait3A_370 : memref<!tpu.dma_semaphore, #tpu.memory_space<semaphore_mem>>) src(%dma_wait3A_376 : memref<128x128xf32, #tpu.memory_space<vmem>>) dst(%dma_wait3A_372 : memref<128x128xf32, #tpu.memory_space<hbm>>)
      } else {
      }
      %add3A_192 = arith.constant 3 : i32
      %add3A_193 = arith.addi %add3A_149, %add3A_192 : i32
      %lt3A_194 = arith.constant 200 : i32
      %lt3A_195 = arith.cmpi slt, %add3A_193, %lt3A_194 : i32
      %convert_element_type3A_196 = arith.extui %lt3A_195 : i1 to i32
      %cond3A_197 = arith.constant 0 : i32
      %cond3A_198 = arith.cmpi ne, %convert_element_type3A_196, %cond3A_197 : i32
      scf.if %cond3A_198 {
        %add3A_354 = arith.constant 3 : i32
        %add3A_355 = arith.addi %add3A_149, %add3A_354 : i32
        %dma_start3A_356 = arith.constant 4 : i32
        %dma_start3A_357 = arith.constant 4 : i32
        %dma_start3A_358 = arith.constant 0 : i32
        %dma_start3A_359 = arith.constant 0 : i32
        %dma_start3A_360 = tpu.memref_slice %arg6[%dma_start3A_356, %dma_start3A_358, %dma_start3A_359] : memref<5x128x128xf32, #tpu.memory_space<vmem>> -> memref<1x128x128xf32, #tpu.memory_space<vmem>>
        %dma_start3A_361 = tpu.memref_squeeze %dma_start3A_360 : memref<1x128x128xf32, #tpu.memory_space<vmem>> -> memref<128x128xf32, #tpu.memory_space<vmem>>
        %dma_start3A_362 = arith.constant 0 : i32
        %dma_start3A_363 = tpu.memref_slice %arg5[%add3A_355, %dma_start3A_362] : memref<200x128xi32, #tpu.memory_space<vmem>> -> memref<1x128xi32, #tpu.memory_space<vmem>>
        %dma_start3A_364 = tpu.memref_squeeze %dma_start3A_363 : memref<1x128xi32, #tpu.memory_space<vmem>> -> memref<128xi32, #tpu.memory_space<vmem>>
        %dma_start3A_365 = arith.constant 0 : i32
        %dma_start3A_366 = arith.constant 0 : i32
        %dma_start3A_367 = tpu.memref_slice %arg3[%dma_start3A_365, %dma_start3A_366] : memref<100000x128xf32, #tpu.memory_space<hbm>> -> memref<100000x128xf32, #tpu.memory_space<hbm>>
        %dma_start3A_368 = tpu.memref_slice %arg8[%dma_start3A_357] : memref<5x!tpu.dma_semaphore, #tpu.memory_space<semaphore_mem>> -> memref<1x!tpu.dma_semaphore, #tpu.memory_space<semaphore_mem>>
        %dma_start3A_369 = tpu.memref_squeeze %dma_start3A_368 : memref<1x!tpu.dma_semaphore, #tpu.memory_space<semaphore_mem>> -> memref<!tpu.dma_semaphore, #tpu.memory_space<semaphore_mem>>
        tpu.enqueue_indirect_dma source(%dma_start3A_367 : memref<100000x128xf32, #tpu.memory_space<hbm>>) target(%dma_start3A_361 : memref<128x128xf32, #tpu.memory_space<vmem>>) offsets(%dma_start3A_364 : memref<128xi32, #tpu.memory_space<vmem>>) semaphore(%dma_start3A_369 : memref<!tpu.dma_semaphore, #tpu.memory_space<semaphore_mem>>)
      } else {
      }
      %mul3A_199 = arith.constant 5 : i32
      %mul3A_200 = arith.muli %scan3A_96, %mul3A_199 : i32
      %add3A_201 = arith.constant 2 : i32
      %add3A_202 = arith.addi %mul3A_200, %add3A_201 : i32
      %dma_wait3A_203 = arith.constant 2 : i32
      %dma_wait3A_204 = arith.constant 2 : i32
      %dma_wait3A_205 = arith.constant 0 : i32
      %dma_wait3A_206 = arith.constant 0 : i32
      %dma_wait3A_207 = tpu.memref_slice %arg6[%dma_wait3A_203, %dma_wait3A_205, %dma_wait3A_206] : memref<5x128x128xf32, #tpu.memory_space<vmem>> -> memref<1x128x128xf32, #tpu.memory_space<vmem>>
      %dma_wait3A_208 = tpu.memref_squeeze %dma_wait3A_207 : memref<1x128x128xf32, #tpu.memory_space<vmem>> -> memref<128x128xf32, #tpu.memory_space<vmem>>
      %dma_wait3A_209 = arith.constant 0 : i32
      %dma_wait3A_210 = tpu.memref_slice %arg5[%add3A_202, %dma_wait3A_209] : memref<200x128xi32, #tpu.memory_space<vmem>> -> memref<1x128xi32, #tpu.memory_space<vmem>>
      %dma_wait3A_211 = tpu.memref_squeeze %dma_wait3A_210 : memref<1x128xi32, #tpu.memory_space<vmem>> -> memref<128xi32, #tpu.memory_space<vmem>>
      %dma_wait3A_212 = arith.constant 0 : i32
      %dma_wait3A_213 = arith.constant 0 : i32
      %dma_wait3A_214 = tpu.memref_slice %arg3[%dma_wait3A_212, %dma_wait3A_213] : memref<100000x128xf32, #tpu.memory_space<hbm>> -> memref<100000x128xf32, #tpu.memory_space<hbm>>
      %dma_wait3A_215 = tpu.memref_slice %arg8[%dma_wait3A_204] : memref<5x!tpu.dma_semaphore, #tpu.memory_space<semaphore_mem>> -> memref<1x!tpu.dma_semaphore, #tpu.memory_space<semaphore_mem>>
      %dma_wait3A_216 = tpu.memref_squeeze %dma_wait3A_215 : memref<1x!tpu.dma_semaphore, #tpu.memory_space<semaphore_mem>> -> memref<!tpu.dma_semaphore, #tpu.memory_space<semaphore_mem>>
      tpu.wait_indirect_dma semaphore(%dma_wait3A_216 : memref<!tpu.dma_semaphore, #tpu.memory_space<semaphore_mem>>) src(%dma_wait3A_214 : memref<100000x128xf32, #tpu.memory_space<hbm>>) dst(%dma_wait3A_208 : memref<128x128xf32, #tpu.memory_space<vmem>>)
      %gt3A = arith.constant 2 : i32
      %gt3A_217 = arith.cmpi sgt, %add3A_202, %gt3A : i32
      %convert_element_type3A_218 = arith.extui %gt3A_217 : i1 to i32
      %cond3A_219 = arith.constant 0 : i32
      %cond3A_220 = arith.cmpi ne, %convert_element_type3A_218, %cond3A_219 : i32
      scf.if %cond3A_220 {
        %mul3A_354 = arith.constant 128 : i32
        %mul3A_355 = arith.muli %add3A_202, %mul3A_354 : i32
        %add3A_356 = arith.addi %mul3A_2, %mul3A_355 : i32
        %dma_wait3A_357 = arith.constant 0 : i32
        %dma_wait3A_358 = tpu.memref_slice %arg4[%add3A_356, %dma_wait3A_357] : memref<819200x128xf32, #tpu.memory_space<hbm>> -> memref<128x128xf32, #tpu.memory_space<hbm>>
        %dma_wait3A_359 = arith.constant 0 : i32
        %dma_wait3A_360 = arith.constant 0 : i32
        %dma_wait3A_361 = tpu.memref_slice %arg7[%arg1, %dma_wait3A_359, %dma_wait3A_360] : memref<16x128x128xf32, #tpu.memory_space<vmem_shared>> -> memref<1x128x128xf32, #tpu.memory_space<vmem_shared>>
        %dma_wait3A_362 = tpu.memref_squeeze %dma_wait3A_361 : memref<1x128x128xf32, #tpu.memory_space<vmem_shared>> -> memref<128x128xf32, #tpu.memory_space<vmem_shared>>
        tpu.wait_dma2 semaphore(%arg10 : memref<!tpu.dma_semaphore, #tpu.memory_space<semaphore_mem>>) src(%dma_wait3A_362 : memref<128x128xf32, #tpu.memory_space<vmem_shared>>) dst(%dma_wait3A_358 : memref<128x128xf32, #tpu.memory_space<hbm>>)
      } else {
      }
      %jit3A = arith.constant 5 : i32
      %eq3A = arith.constant 0 : i32
      %eq3A_221 = arith.cmpi eq, %jit3A, %eq3A : i32
      %jit3A_222 = arith.constant 1 : i32
      %select_n3A = arith.select %eq3A_221, %jit3A_222, %jit3A : i32
      %rem3A = arith.remsi %add3A_202, %select_n3A : i32
      %ne3A = arith.constant 0 : i32
      %ne3A_223 = arith.cmpi ne, %rem3A, %ne3A : i32
      %lt3A_224 = arith.constant 0 : i32
      %lt3A_225 = arith.cmpi slt, %rem3A, %lt3A_224 : i32
      %lt3A_226 = arith.constant 0 : i32
      %lt3A_227 = arith.cmpi slt, %select_n3A, %lt3A_226 : i32
      %ne3A_228 = arith.xori %lt3A_225, %lt3A_227 : i1
      %and3A = arith.andi %ne3A_228, %ne3A_223 : i1
      %add3A_229 = arith.addi %rem3A, %select_n3A : i32
      %select_n3A_230 = arith.select %and3A, %add3A_229, %rem3A : i32
      "tpu.region"() ({
        %run_scoped3A = tpu.sem_alloc : memref<!tpu.dma_semaphore, #tpu.memory_space<semaphore_mem>>
        %dma_start3A_354 = arith.constant 0 : i32
        %dma_start3A_355 = arith.constant 0 : i32
        %dma_start3A_356 = tpu.memref_slice %arg6[%select_n3A_230, %dma_start3A_354, %dma_start3A_355] : memref<5x128x128xf32, #tpu.memory_space<vmem>> -> memref<1x128x128xf32, #tpu.memory_space<vmem>>
        %dma_start3A_357 = tpu.memref_squeeze %dma_start3A_356 : memref<1x128x128xf32, #tpu.memory_space<vmem>> -> memref<128x128xf32, #tpu.memory_space<vmem>>
        %dma_start3A_358 = arith.constant 0 : i32
        %dma_start3A_359 = arith.constant 0 : i32
        %dma_start3A_360 = tpu.memref_slice %arg7[%arg1, %dma_start3A_358, %dma_start3A_359] : memref<16x128x128xf32, #tpu.memory_space<vmem_shared>> -> memref<1x128x128xf32, #tpu.memory_space<vmem_shared>>
        %dma_start3A_361 = tpu.memref_squeeze %dma_start3A_360 : memref<1x128x128xf32, #tpu.memory_space<vmem_shared>> -> memref<128x128xf32, #tpu.memory_space<vmem_shared>>
        %dma_start3A_362 = arith.constant 0 : i32
        %dma_start3A_363 = arith.constant 0 : i32
        %dma_start3A_364 = tpu.memref_slice %arg7[%arg1, %dma_start3A_362, %dma_start3A_363] : memref<16x128x128xf32, #tpu.memory_space<vmem_shared>> -> memref<1x128x128xf32, #tpu.memory_space<vmem_shared>>
        %dma_start3A_365 = tpu.memref_squeeze %dma_start3A_364 : memref<1x128x128xf32, #tpu.memory_space<vmem_shared>> -> memref<128x128xf32, #tpu.memory_space<vmem_shared>>
        %dma_start3A_366 = arith.constant 0 : i32
        %dma_start3A_367 = arith.constant 0 : i32
        %dma_start3A_368 = tpu.memref_slice %arg6[%select_n3A_230, %dma_start3A_366, %dma_start3A_367] : memref<5x128x128xf32, #tpu.memory_space<vmem>> -> memref<1x128x128xf32, #tpu.memory_space<vmem>>
        %dma_start3A_369 = tpu.memref_squeeze %dma_start3A_368 : memref<1x128x128xf32, #tpu.memory_space<vmem>> -> memref<128x128xf32, #tpu.memory_space<vmem>>
        tpu.enqueue_dma source(%dma_start3A_369 : memref<128x128xf32, #tpu.memory_space<vmem>>) target(%dma_start3A_365 : memref<128x128xf32, #tpu.memory_space<vmem_shared>>) target_semaphore(%run_scoped3A : memref<!tpu.dma_semaphore, #tpu.memory_space<semaphore_mem>>)
        %dma_wait3A_370 = arith.constant 0 : i32
        %dma_wait3A_371 = arith.constant 0 : i32
        %dma_wait3A_372 = tpu.memref_slice %arg6[%select_n3A_230, %dma_wait3A_370, %dma_wait3A_371] : memref<5x128x128xf32, #tpu.memory_space<vmem>> -> memref<1x128x128xf32, #tpu.memory_space<vmem>>
        %dma_wait3A_373 = tpu.memref_squeeze %dma_wait3A_372 : memref<1x128x128xf32, #tpu.memory_space<vmem>> -> memref<128x128xf32, #tpu.memory_space<vmem>>
        %dma_wait3A_374 = arith.constant 0 : i32
        %dma_wait3A_375 = arith.constant 0 : i32
        %dma_wait3A_376 = tpu.memref_slice %arg7[%arg1, %dma_wait3A_374, %dma_wait3A_375] : memref<16x128x128xf32, #tpu.memory_space<vmem_shared>> -> memref<1x128x128xf32, #tpu.memory_space<vmem_shared>>
        %dma_wait3A_377 = tpu.memref_squeeze %dma_wait3A_376 : memref<1x128x128xf32, #tpu.memory_space<vmem_shared>> -> memref<128x128xf32, #tpu.memory_space<vmem_shared>>
        %dma_wait3A_378 = arith.constant 0 : i32
        %dma_wait3A_379 = arith.constant 0 : i32
        %dma_wait3A_380 = tpu.memref_slice %arg7[%arg1, %dma_wait3A_378, %dma_wait3A_379] : memref<16x128x128xf32, #tpu.memory_space<vmem_shared>> -> memref<1x128x128xf32, #tpu.memory_space<vmem_shared>>
        %dma_wait3A_381 = tpu.memref_squeeze %dma_wait3A_380 : memref<1x128x128xf32, #tpu.memory_space<vmem_shared>> -> memref<128x128xf32, #tpu.memory_space<vmem_shared>>
        %dma_wait3A_382 = arith.constant 0 : i32
        %dma_wait3A_383 = arith.constant 0 : i32
        %dma_wait3A_384 = tpu.memref_slice %arg6[%select_n3A_230, %dma_wait3A_382, %dma_wait3A_383] : memref<5x128x128xf32, #tpu.memory_space<vmem>> -> memref<1x128x128xf32, #tpu.memory_space<vmem>>
        %dma_wait3A_385 = tpu.memref_squeeze %dma_wait3A_384 : memref<1x128x128xf32, #tpu.memory_space<vmem>> -> memref<128x128xf32, #tpu.memory_space<vmem>>
        tpu.wait_dma2 semaphore(%run_scoped3A : memref<!tpu.dma_semaphore, #tpu.memory_space<semaphore_mem>>) src(%dma_wait3A_385 : memref<128x128xf32, #tpu.memory_space<vmem>>) dst(%dma_wait3A_381 : memref<128x128xf32, #tpu.memory_space<vmem_shared>>)
        tpu.yield
      }) : () -> ()
      %mul3A_231 = arith.constant 128 : i32
      %mul3A_232 = arith.muli %add3A_202, %mul3A_231 : i32
      %add3A_233 = arith.addi %mul3A_2, %mul3A_232 : i32
      %dma_start3A_234 = arith.constant 0 : i32
      %dma_start3A_235 = tpu.memref_slice %arg4[%add3A_233, %dma_start3A_234] : memref<819200x128xf32, #tpu.memory_space<hbm>> -> memref<128x128xf32, #tpu.memory_space<hbm>>
      %dma_start3A_236 = arith.constant 0 : i32
      %dma_start3A_237 = arith.constant 0 : i32
      %dma_start3A_238 = tpu.memref_slice %arg7[%arg1, %dma_start3A_236, %dma_start3A_237] : memref<16x128x128xf32, #tpu.memory_space<vmem_shared>> -> memref<1x128x128xf32, #tpu.memory_space<vmem_shared>>
      %dma_start3A_239 = tpu.memref_squeeze %dma_start3A_238 : memref<1x128x128xf32, #tpu.memory_space<vmem_shared>> -> memref<128x128xf32, #tpu.memory_space<vmem_shared>>
      tpu.enqueue_dma source(%dma_start3A_239 : memref<128x128xf32, #tpu.memory_space<vmem_shared>>) target(%dma_start3A_235 : memref<128x128xf32, #tpu.memory_space<hbm>>) target_semaphore(%arg10 : memref<!tpu.dma_semaphore, #tpu.memory_space<semaphore_mem>>)
      %add3A_240 = arith.constant 3 : i32
      %add3A_241 = arith.addi %add3A_202, %add3A_240 : i32
      %sub3A_242 = arith.constant 5 : i32
      %sub3A_243 = arith.subi %add3A_241, %sub3A_242 : i32
      %ge3A_244 = arith.constant 0 : i32
      %ge3A_245 = arith.cmpi sge, %sub3A_243, %ge3A_244 : i32
      %convert_element_type3A_246 = arith.extui %ge3A_245 : i1 to i32
      %cond3A_247 = arith.constant 0 : i32
      %cond3A_248 = arith.cmpi ne, %convert_element_type3A_246, %cond3A_247 : i32
      scf.if %cond3A_248 {
        %add3A_354 = arith.constant 3 : i32
        %add3A_355 = arith.addi %add3A_202, %add3A_354 : i32
        %sub3A_356 = arith.constant 5 : i32
        %sub3A_357 = arith.subi %add3A_355, %sub3A_356 : i32
        %mul3A_358 = arith.constant 128 : i32
        %mul3A_359 = arith.muli %sub3A_357, %mul3A_358 : i32
        %add3A_360 = arith.addi %mul3A_2, %mul3A_359 : i32
        %dma_wait3A_361 = arith.constant 0 : i32
        %dma_wait3A_362 = arith.constant 0 : i32
        %dma_wait3A_363 = arith.constant 0 : i32
        %dma_wait3A_364 = arith.constant 0 : i32
        %dma_wait3A_365 = tpu.memref_slice %arg6[%dma_wait3A_361, %dma_wait3A_363, %dma_wait3A_364] : memref<5x128x128xf32, #tpu.memory_space<vmem>> -> memref<1x128x128xf32, #tpu.memory_space<vmem>>
        %dma_wait3A_366 = tpu.memref_squeeze %dma_wait3A_365 : memref<1x128x128xf32, #tpu.memory_space<vmem>> -> memref<128x128xf32, #tpu.memory_space<vmem>>
        %dma_wait3A_367 = arith.constant 0 : i32
        %dma_wait3A_368 = tpu.memref_slice %arg4[%add3A_360, %dma_wait3A_367] : memref<819200x128xf32, #tpu.memory_space<hbm>> -> memref<128x128xf32, #tpu.memory_space<hbm>>
        %dma_wait3A_369 = tpu.memref_slice %arg9[%dma_wait3A_362] : memref<5x!tpu.dma_semaphore, #tpu.memory_space<semaphore_mem>> -> memref<1x!tpu.dma_semaphore, #tpu.memory_space<semaphore_mem>>
        %dma_wait3A_370 = tpu.memref_squeeze %dma_wait3A_369 : memref<1x!tpu.dma_semaphore, #tpu.memory_space<semaphore_mem>> -> memref<!tpu.dma_semaphore, #tpu.memory_space<semaphore_mem>>
        %dma_wait3A_371 = arith.constant 0 : i32
        %dma_wait3A_372 = tpu.memref_slice %arg4[%add3A_360, %dma_wait3A_371] : memref<819200x128xf32, #tpu.memory_space<hbm>> -> memref<128x128xf32, #tpu.memory_space<hbm>>
        %dma_wait3A_373 = arith.constant 0 : i32
        %dma_wait3A_374 = arith.constant 0 : i32
        %dma_wait3A_375 = tpu.memref_slice %arg6[%dma_wait3A_361, %dma_wait3A_373, %dma_wait3A_374] : memref<5x128x128xf32, #tpu.memory_space<vmem>> -> memref<1x128x128xf32, #tpu.memory_space<vmem>>
        %dma_wait3A_376 = tpu.memref_squeeze %dma_wait3A_375 : memref<1x128x128xf32, #tpu.memory_space<vmem>> -> memref<128x128xf32, #tpu.memory_space<vmem>>
        tpu.wait_dma2 semaphore(%dma_wait3A_370 : memref<!tpu.dma_semaphore, #tpu.memory_space<semaphore_mem>>) src(%dma_wait3A_376 : memref<128x128xf32, #tpu.memory_space<vmem>>) dst(%dma_wait3A_372 : memref<128x128xf32, #tpu.memory_space<hbm>>)
      } else {
      }
      %add3A_249 = arith.constant 3 : i32
      %add3A_250 = arith.addi %add3A_202, %add3A_249 : i32
      %lt3A_251 = arith.constant 200 : i32
      %lt3A_252 = arith.cmpi slt, %add3A_250, %lt3A_251 : i32
      %convert_element_type3A_253 = arith.extui %lt3A_252 : i1 to i32
      %cond3A_254 = arith.constant 0 : i32
      %cond3A_255 = arith.cmpi ne, %convert_element_type3A_253, %cond3A_254 : i32
      scf.if %cond3A_255 {
        %add3A_354 = arith.constant 3 : i32
        %add3A_355 = arith.addi %add3A_202, %add3A_354 : i32
        %dma_start3A_356 = arith.constant 0 : i32
        %dma_start3A_357 = arith.constant 0 : i32
        %dma_start3A_358 = arith.constant 0 : i32
        %dma_start3A_359 = arith.constant 0 : i32
        %dma_start3A_360 = tpu.memref_slice %arg6[%dma_start3A_356, %dma_start3A_358, %dma_start3A_359] : memref<5x128x128xf32, #tpu.memory_space<vmem>> -> memref<1x128x128xf32, #tpu.memory_space<vmem>>
        %dma_start3A_361 = tpu.memref_squeeze %dma_start3A_360 : memref<1x128x128xf32, #tpu.memory_space<vmem>> -> memref<128x128xf32, #tpu.memory_space<vmem>>
        %dma_start3A_362 = arith.constant 0 : i32
        %dma_start3A_363 = tpu.memref_slice %arg5[%add3A_355, %dma_start3A_362] : memref<200x128xi32, #tpu.memory_space<vmem>> -> memref<1x128xi32, #tpu.memory_space<vmem>>
        %dma_start3A_364 = tpu.memref_squeeze %dma_start3A_363 : memref<1x128xi32, #tpu.memory_space<vmem>> -> memref<128xi32, #tpu.memory_space<vmem>>
        %dma_start3A_365 = arith.constant 0 : i32
        %dma_start3A_366 = arith.constant 0 : i32
        %dma_start3A_367 = tpu.memref_slice %arg3[%dma_start3A_365, %dma_start3A_366] : memref<100000x128xf32, #tpu.memory_space<hbm>> -> memref<100000x128xf32, #tpu.memory_space<hbm>>
        %dma_start3A_368 = tpu.memref_slice %arg8[%dma_start3A_357] : memref<5x!tpu.dma_semaphore, #tpu.memory_space<semaphore_mem>> -> memref<1x!tpu.dma_semaphore, #tpu.memory_space<semaphore_mem>>
        %dma_start3A_369 = tpu.memref_squeeze %dma_start3A_368 : memref<1x!tpu.dma_semaphore, #tpu.memory_space<semaphore_mem>> -> memref<!tpu.dma_semaphore, #tpu.memory_space<semaphore_mem>>
        tpu.enqueue_indirect_dma source(%dma_start3A_367 : memref<100000x128xf32, #tpu.memory_space<hbm>>) target(%dma_start3A_361 : memref<128x128xf32, #tpu.memory_space<vmem>>) offsets(%dma_start3A_364 : memref<128xi32, #tpu.memory_space<vmem>>) semaphore(%dma_start3A_369 : memref<!tpu.dma_semaphore, #tpu.memory_space<semaphore_mem>>)
      } else {
      }
      %mul3A_256 = arith.constant 5 : i32
      %mul3A_257 = arith.muli %scan3A_96, %mul3A_256 : i32
      %add3A_258 = arith.constant 3 : i32
      %add3A_259 = arith.addi %mul3A_257, %add3A_258 : i32
      %dma_wait3A_260 = arith.constant 3 : i32
      %dma_wait3A_261 = arith.constant 3 : i32
      %dma_wait3A_262 = arith.constant 0 : i32
      %dma_wait3A_263 = arith.constant 0 : i32
      %dma_wait3A_264 = tpu.memref_slice %arg6[%dma_wait3A_260, %dma_wait3A_262, %dma_wait3A_263] : memref<5x128x128xf32, #tpu.memory_space<vmem>> -> memref<1x128x128xf32, #tpu.memory_space<vmem>>
      %dma_wait3A_265 = tpu.memref_squeeze %dma_wait3A_264 : memref<1x128x128xf32, #tpu.memory_space<vmem>> -> memref<128x128xf32, #tpu.memory_space<vmem>>
      %dma_wait3A_266 = arith.constant 0 : i32
      %dma_wait3A_267 = tpu.memref_slice %arg5[%add3A_259, %dma_wait3A_266] : memref<200x128xi32, #tpu.memory_space<vmem>> -> memref<1x128xi32, #tpu.memory_space<vmem>>
      %dma_wait3A_268 = tpu.memref_squeeze %dma_wait3A_267 : memref<1x128xi32, #tpu.memory_space<vmem>> -> memref<128xi32, #tpu.memory_space<vmem>>
      %dma_wait3A_269 = arith.constant 0 : i32
      %dma_wait3A_270 = arith.constant 0 : i32
      %dma_wait3A_271 = tpu.memref_slice %arg3[%dma_wait3A_269, %dma_wait3A_270] : memref<100000x128xf32, #tpu.memory_space<hbm>> -> memref<100000x128xf32, #tpu.memory_space<hbm>>
      %dma_wait3A_272 = tpu.memref_slice %arg8[%dma_wait3A_261] : memref<5x!tpu.dma_semaphore, #tpu.memory_space<semaphore_mem>> -> memref<1x!tpu.dma_semaphore, #tpu.memory_space<semaphore_mem>>
      %dma_wait3A_273 = tpu.memref_squeeze %dma_wait3A_272 : memref<1x!tpu.dma_semaphore, #tpu.memory_space<semaphore_mem>> -> memref<!tpu.dma_semaphore, #tpu.memory_space<semaphore_mem>>
      tpu.wait_indirect_dma semaphore(%dma_wait3A_273 : memref<!tpu.dma_semaphore, #tpu.memory_space<semaphore_mem>>) src(%dma_wait3A_271 : memref<100000x128xf32, #tpu.memory_space<hbm>>) dst(%dma_wait3A_265 : memref<128x128xf32, #tpu.memory_space<vmem>>)
      %mul3A_274 = arith.constant 128 : i32
      %mul3A_275 = arith.muli %add3A_259, %mul3A_274 : i32
      %add3A_276 = arith.addi %mul3A_2, %mul3A_275 : i32
      %dma_start3A_277 = arith.constant 3 : i32
      %dma_start3A_278 = arith.constant 3 : i32
      %dma_start3A_279 = arith.constant 0 : i32
      %dma_start3A_280 = arith.constant 0 : i32
      %dma_start3A_281 = tpu.memref_slice %arg6[%dma_start3A_277, %dma_start3A_279, %dma_start3A_280] : memref<5x128x128xf32, #tpu.memory_space<vmem>> -> memref<1x128x128xf32, #tpu.memory_space<vmem>>
      %dma_start3A_282 = tpu.memref_squeeze %dma_start3A_281 : memref<1x128x128xf32, #tpu.memory_space<vmem>> -> memref<128x128xf32, #tpu.memory_space<vmem>>
      %dma_start3A_283 = arith.constant 0 : i32
      %dma_start3A_284 = tpu.memref_slice %arg4[%add3A_276, %dma_start3A_283] : memref<819200x128xf32, #tpu.memory_space<hbm>> -> memref<128x128xf32, #tpu.memory_space<hbm>>
      %dma_start3A_285 = tpu.memref_slice %arg9[%dma_start3A_278] : memref<5x!tpu.dma_semaphore, #tpu.memory_space<semaphore_mem>> -> memref<1x!tpu.dma_semaphore, #tpu.memory_space<semaphore_mem>>
      %dma_start3A_286 = tpu.memref_squeeze %dma_start3A_285 : memref<1x!tpu.dma_semaphore, #tpu.memory_space<semaphore_mem>> -> memref<!tpu.dma_semaphore, #tpu.memory_space<semaphore_mem>>
      %dma_start3A_287 = arith.constant 0 : i32
      %dma_start3A_288 = tpu.memref_slice %arg4[%add3A_276, %dma_start3A_287] : memref<819200x128xf32, #tpu.memory_space<hbm>> -> memref<128x128xf32, #tpu.memory_space<hbm>>
      %dma_start3A_289 = arith.constant 0 : i32
      %dma_start3A_290 = arith.constant 0 : i32
      %dma_start3A_291 = tpu.memref_slice %arg6[%dma_start3A_277, %dma_start3A_289, %dma_start3A_290] : memref<5x128x128xf32, #tpu.memory_space<vmem>> -> memref<1x128x128xf32, #tpu.memory_space<vmem>>
      %dma_start3A_292 = tpu.memref_squeeze %dma_start3A_291 : memref<1x128x128xf32, #tpu.memory_space<vmem>> -> memref<128x128xf32, #tpu.memory_space<vmem>>
      tpu.enqueue_dma source(%dma_start3A_292 : memref<128x128xf32, #tpu.memory_space<vmem>>) target(%dma_start3A_288 : memref<128x128xf32, #tpu.memory_space<hbm>>) target_semaphore(%dma_start3A_286 : memref<!tpu.dma_semaphore, #tpu.memory_space<semaphore_mem>>)
      %add3A_293 = arith.constant 3 : i32
      %add3A_294 = arith.addi %add3A_259, %add3A_293 : i32
      %sub3A_295 = arith.constant 5 : i32
      %sub3A_296 = arith.subi %add3A_294, %sub3A_295 : i32
      %ge3A_297 = arith.constant 0 : i32
      %ge3A_298 = arith.cmpi sge, %sub3A_296, %ge3A_297 : i32
      %convert_element_type3A_299 = arith.extui %ge3A_298 : i1 to i32
      %cond3A_300 = arith.constant 0 : i32
      %cond3A_301 = arith.cmpi ne, %convert_element_type3A_299, %cond3A_300 : i32
      scf.if %cond3A_301 {
        %add3A_354 = arith.constant 3 : i32
        %add3A_355 = arith.addi %add3A_259, %add3A_354 : i32
        %sub3A_356 = arith.constant 5 : i32
        %sub3A_357 = arith.subi %add3A_355, %sub3A_356 : i32
        %mul3A_358 = arith.constant 128 : i32
        %mul3A_359 = arith.muli %sub3A_357, %mul3A_358 : i32
        %add3A_360 = arith.addi %mul3A_2, %mul3A_359 : i32
        %dma_wait3A_361 = arith.constant 1 : i32
        %dma_wait3A_362 = arith.constant 1 : i32
        %dma_wait3A_363 = arith.constant 0 : i32
        %dma_wait3A_364 = arith.constant 0 : i32
        %dma_wait3A_365 = tpu.memref_slice %arg6[%dma_wait3A_361, %dma_wait3A_363, %dma_wait3A_364] : memref<5x128x128xf32, #tpu.memory_space<vmem>> -> memref<1x128x128xf32, #tpu.memory_space<vmem>>
        %dma_wait3A_366 = tpu.memref_squeeze %dma_wait3A_365 : memref<1x128x128xf32, #tpu.memory_space<vmem>> -> memref<128x128xf32, #tpu.memory_space<vmem>>
        %dma_wait3A_367 = arith.constant 0 : i32
        %dma_wait3A_368 = tpu.memref_slice %arg4[%add3A_360, %dma_wait3A_367] : memref<819200x128xf32, #tpu.memory_space<hbm>> -> memref<128x128xf32, #tpu.memory_space<hbm>>
        %dma_wait3A_369 = tpu.memref_slice %arg9[%dma_wait3A_362] : memref<5x!tpu.dma_semaphore, #tpu.memory_space<semaphore_mem>> -> memref<1x!tpu.dma_semaphore, #tpu.memory_space<semaphore_mem>>
        %dma_wait3A_370 = tpu.memref_squeeze %dma_wait3A_369 : memref<1x!tpu.dma_semaphore, #tpu.memory_space<semaphore_mem>> -> memref<!tpu.dma_semaphore, #tpu.memory_space<semaphore_mem>>
        %dma_wait3A_371 = arith.constant 0 : i32
        %dma_wait3A_372 = tpu.memref_slice %arg4[%add3A_360, %dma_wait3A_371] : memref<819200x128xf32, #tpu.memory_space<hbm>> -> memref<128x128xf32, #tpu.memory_space<hbm>>
        %dma_wait3A_373 = arith.constant 0 : i32
        %dma_wait3A_374 = arith.constant 0 : i32
        %dma_wait3A_375 = tpu.memref_slice %arg6[%dma_wait3A_361, %dma_wait3A_373, %dma_wait3A_374] : memref<5x128x128xf32, #tpu.memory_space<vmem>> -> memref<1x128x128xf32, #tpu.memory_space<vmem>>
        %dma_wait3A_376 = tpu.memref_squeeze %dma_wait3A_375 : memref<1x128x128xf32, #tpu.memory_space<vmem>> -> memref<128x128xf32, #tpu.memory_space<vmem>>
        tpu.wait_dma2 semaphore(%dma_wait3A_370 : memref<!tpu.dma_semaphore, #tpu.memory_space<semaphore_mem>>) src(%dma_wait3A_376 : memref<128x128xf32, #tpu.memory_space<vmem>>) dst(%dma_wait3A_372 : memref<128x128xf32, #tpu.memory_space<hbm>>)
      } else {
      }
      %add3A_302 = arith.constant 3 : i32
      %add3A_303 = arith.addi %add3A_259, %add3A_302 : i32
      %lt3A_304 = arith.constant 200 : i32
      %lt3A_305 = arith.cmpi slt, %add3A_303, %lt3A_304 : i32
      %convert_element_type3A_306 = arith.extui %lt3A_305 : i1 to i32
      %cond3A_307 = arith.constant 0 : i32
      %cond3A_308 = arith.cmpi ne, %convert_element_type3A_306, %cond3A_307 : i32
      scf.if %cond3A_308 {
        %add3A_354 = arith.constant 3 : i32
        %add3A_355 = arith.addi %add3A_259, %add3A_354 : i32
        %dma_start3A_356 = arith.constant 1 : i32
        %dma_start3A_357 = arith.constant 1 : i32
        %dma_start3A_358 = arith.constant 0 : i32
        %dma_start3A_359 = arith.constant 0 : i32
        %dma_start3A_360 = tpu.memref_slice %arg6[%dma_start3A_356, %dma_start3A_358, %dma_start3A_359] : memref<5x128x128xf32, #tpu.memory_space<vmem>> -> memref<1x128x128xf32, #tpu.memory_space<vmem>>
        %dma_start3A_361 = tpu.memref_squeeze %dma_start3A_360 : memref<1x128x128xf32, #tpu.memory_space<vmem>> -> memref<128x128xf32, #tpu.memory_space<vmem>>
        %dma_start3A_362 = arith.constant 0 : i32
        %dma_start3A_363 = tpu.memref_slice %arg5[%add3A_355, %dma_start3A_362] : memref<200x128xi32, #tpu.memory_space<vmem>> -> memref<1x128xi32, #tpu.memory_space<vmem>>
        %dma_start3A_364 = tpu.memref_squeeze %dma_start3A_363 : memref<1x128xi32, #tpu.memory_space<vmem>> -> memref<128xi32, #tpu.memory_space<vmem>>
        %dma_start3A_365 = arith.constant 0 : i32
        %dma_start3A_366 = arith.constant 0 : i32
        %dma_start3A_367 = tpu.memref_slice %arg3[%dma_start3A_365, %dma_start3A_366] : memref<100000x128xf32, #tpu.memory_space<hbm>> -> memref<100000x128xf32, #tpu.memory_space<hbm>>
        %dma_start3A_368 = tpu.memref_slice %arg8[%dma_start3A_357] : memref<5x!tpu.dma_semaphore, #tpu.memory_space<semaphore_mem>> -> memref<1x!tpu.dma_semaphore, #tpu.memory_space<semaphore_mem>>
        %dma_start3A_369 = tpu.memref_squeeze %dma_start3A_368 : memref<1x!tpu.dma_semaphore, #tpu.memory_space<semaphore_mem>> -> memref<!tpu.dma_semaphore, #tpu.memory_space<semaphore_mem>>
        tpu.enqueue_indirect_dma source(%dma_start3A_367 : memref<100000x128xf32, #tpu.memory_space<hbm>>) target(%dma_start3A_361 : memref<128x128xf32, #tpu.memory_space<vmem>>) offsets(%dma_start3A_364 : memref<128xi32, #tpu.memory_space<vmem>>) semaphore(%dma_start3A_369 : memref<!tpu.dma_semaphore, #tpu.memory_space<semaphore_mem>>)
      } else {
      }
      %mul3A_309 = arith.constant 5 : i32
      %mul3A_310 = arith.muli %scan3A_96, %mul3A_309 : i32
      %add3A_311 = arith.constant 4 : i32
      %add3A_312 = arith.addi %mul3A_310, %add3A_311 : i32
      %dma_wait3A_313 = arith.constant 4 : i32
      %dma_wait3A_314 = arith.constant 4 : i32
      %dma_wait3A_315 = arith.constant 0 : i32
      %dma_wait3A_316 = arith.constant 0 : i32
      %dma_wait3A_317 = tpu.memref_slice %arg6[%dma_wait3A_313, %dma_wait3A_315, %dma_wait3A_316] : memref<5x128x128xf32, #tpu.memory_space<vmem>> -> memref<1x128x128xf32, #tpu.memory_space<vmem>>
      %dma_wait3A_318 = tpu.memref_squeeze %dma_wait3A_317 : memref<1x128x128xf32, #tpu.memory_space<vmem>> -> memref<128x128xf32, #tpu.memory_space<vmem>>
      %dma_wait3A_319 = arith.constant 0 : i32
      %dma_wait3A_320 = tpu.memref_slice %arg5[%add3A_312, %dma_wait3A_319] : memref<200x128xi32, #tpu.memory_space<vmem>> -> memref<1x128xi32, #tpu.memory_space<vmem>>
      %dma_wait3A_321 = tpu.memref_squeeze %dma_wait3A_320 : memref<1x128xi32, #tpu.memory_space<vmem>> -> memref<128xi32, #tpu.memory_space<vmem>>
      %dma_wait3A_322 = arith.constant 0 : i32
      %dma_wait3A_323 = arith.constant 0 : i32
      %dma_wait3A_324 = tpu.memref_slice %arg3[%dma_wait3A_322, %dma_wait3A_323] : memref<100000x128xf32, #tpu.memory_space<hbm>> -> memref<100000x128xf32, #tpu.memory_space<hbm>>
      %dma_wait3A_325 = tpu.memref_slice %arg8[%dma_wait3A_314] : memref<5x!tpu.dma_semaphore, #tpu.memory_space<semaphore_mem>> -> memref<1x!tpu.dma_semaphore, #tpu.memory_space<semaphore_mem>>
      %dma_wait3A_326 = tpu.memref_squeeze %dma_wait3A_325 : memref<1x!tpu.dma_semaphore, #tpu.memory_space<semaphore_mem>> -> memref<!tpu.dma_semaphore, #tpu.memory_space<semaphore_mem>>
      tpu.wait_indirect_dma semaphore(%dma_wait3A_326 : memref<!tpu.dma_semaphore, #tpu.memory_space<semaphore_mem>>) src(%dma_wait3A_324 : memref<100000x128xf32, #tpu.memory_space<hbm>>) dst(%dma_wait3A_318 : memref<128x128xf32, #tpu.memory_space<vmem>>)
      %mul3A_327 = arith.constant 128 : i32
      %mul3A_328 = arith.muli %add3A_312, %mul3A_327 : i32
      %add3A_329 = arith.addi %mul3A_2, %mul3A_328 : i32
      %dma_start3A_330 = arith.constant 4 : i32
      %dma_start3A_331 = arith.constant 4 : i32
      %dma_start3A_332 = arith.constant 0 : i32
      %dma_start3A_333 = arith.constant 0 : i32
      %dma_start3A_334 = tpu.memref_slice %arg6[%dma_start3A_330, %dma_start3A_332, %dma_start3A_333] : memref<5x128x128xf32, #tpu.memory_space<vmem>> -> memref<1x128x128xf32, #tpu.memory_space<vmem>>
      %dma_start3A_335 = tpu.memref_squeeze %dma_start3A_334 : memref<1x128x128xf32, #tpu.memory_space<vmem>> -> memref<128x128xf32, #tpu.memory_space<vmem>>
      %dma_start3A_336 = arith.constant 0 : i32
      %dma_start3A_337 = tpu.memref_slice %arg4[%add3A_329, %dma_start3A_336] : memref<819200x128xf32, #tpu.memory_space<hbm>> -> memref<128x128xf32, #tpu.memory_space<hbm>>
      %dma_start3A_338 = tpu.memref_slice %arg9[%dma_start3A_331] : memref<5x!tpu.dma_semaphore, #tpu.memory_space<semaphore_mem>> -> memref<1x!tpu.dma_semaphore, #tpu.memory_space<semaphore_mem>>
      %dma_start3A_339 = tpu.memref_squeeze %dma_start3A_338 : memref<1x!tpu.dma_semaphore, #tpu.memory_space<semaphore_mem>> -> memref<!tpu.dma_semaphore, #tpu.memory_space<semaphore_mem>>
      %dma_start3A_340 = arith.constant 0 : i32
      %dma_start3A_341 = tpu.memref_slice %arg4[%add3A_329, %dma_start3A_340] : memref<819200x128xf32, #tpu.memory_space<hbm>> -> memref<128x128xf32, #tpu.memory_space<hbm>>
      %dma_start3A_342 = arith.constant 0 : i32
      %dma_start3A_343 = arith.constant 0 : i32
      %dma_start3A_344 = tpu.memref_slice %arg6[%dma_start3A_330, %dma_start3A_342, %dma_start3A_343] : memref<5x128x128xf32, #tpu.memory_space<vmem>> -> memref<1x128x128xf32, #tpu.memory_space<vmem>>
      %dma_start3A_345 = tpu.memref_squeeze %dma_start3A_344 : memref<1x128x128xf32, #tpu.memory_space<vmem>> -> memref<128x128xf32, #tpu.memory_space<vmem>>
      tpu.enqueue_dma source(%dma_start3A_345 : memref<128x128xf32, #tpu.memory_space<vmem>>) target(%dma_start3A_341 : memref<128x128xf32, #tpu.memory_space<hbm>>) target_semaphore(%dma_start3A_339 : memref<!tpu.dma_semaphore, #tpu.memory_space<semaphore_mem>>)
      %add3A_346 = arith.constant 3 : i32
      %add3A_347 = arith.addi %add3A_312, %add3A_346 : i32
      %lt3A_348 = arith.constant 200 : i32
      %lt3A_349 = arith.cmpi slt, %add3A_347, %lt3A_348 : i32
      %convert_element_type3A_350 = arith.extui %lt3A_349 : i1 to i32
      %cond3A_351 = arith.constant 0 : i32
      %cond3A_352 = arith.cmpi ne, %convert_element_type3A_350, %cond3A_351 : i32
      scf.if %cond3A_352 {
        %add3A_354 = arith.constant 3 : i32
        %add3A_355 = arith.addi %add3A_312, %add3A_354 : i32
        %dma_start3A_356 = arith.constant 2 : i32
        %dma_start3A_357 = arith.constant 2 : i32
        %dma_start3A_358 = arith.constant 0 : i32
        %dma_start3A_359 = arith.constant 0 : i32
        %dma_start3A_360 = tpu.memref_slice %arg6[%dma_start3A_356, %dma_start3A_358, %dma_start3A_359] : memref<5x128x128xf32, #tpu.memory_space<vmem>> -> memref<1x128x128xf32, #tpu.memory_space<vmem>>
        %dma_start3A_361 = tpu.memref_squeeze %dma_start3A_360 : memref<1x128x128xf32, #tpu.memory_space<vmem>> -> memref<128x128xf32, #tpu.memory_space<vmem>>
        %dma_start3A_362 = arith.constant 0 : i32
        %dma_start3A_363 = tpu.memref_slice %arg5[%add3A_355, %dma_start3A_362] : memref<200x128xi32, #tpu.memory_space<vmem>> -> memref<1x128xi32, #tpu.memory_space<vmem>>
        %dma_start3A_364 = tpu.memref_squeeze %dma_start3A_363 : memref<1x128xi32, #tpu.memory_space<vmem>> -> memref<128xi32, #tpu.memory_space<vmem>>
        %dma_start3A_365 = arith.constant 0 : i32
        %dma_start3A_366 = arith.constant 0 : i32
        %dma_start3A_367 = tpu.memref_slice %arg3[%dma_start3A_365, %dma_start3A_366] : memref<100000x128xf32, #tpu.memory_space<hbm>> -> memref<100000x128xf32, #tpu.memory_space<hbm>>
        %dma_start3A_368 = tpu.memref_slice %arg8[%dma_start3A_357] : memref<5x!tpu.dma_semaphore, #tpu.memory_space<semaphore_mem>> -> memref<1x!tpu.dma_semaphore, #tpu.memory_space<semaphore_mem>>
        %dma_start3A_369 = tpu.memref_squeeze %dma_start3A_368 : memref<1x!tpu.dma_semaphore, #tpu.memory_space<semaphore_mem>> -> memref<!tpu.dma_semaphore, #tpu.memory_space<semaphore_mem>>
        tpu.enqueue_indirect_dma source(%dma_start3A_367 : memref<100000x128xf32, #tpu.memory_space<hbm>>) target(%dma_start3A_361 : memref<128x128xf32, #tpu.memory_space<vmem>>) offsets(%dma_start3A_364 : memref<128xi32, #tpu.memory_space<vmem>>) semaphore(%dma_start3A_369 : memref<!tpu.dma_semaphore, #tpu.memory_space<semaphore_mem>>)
      } else {
      }
      %scan3A_353 = arith.constant 0 : i32
      scf.yield %scan3A_353 : i32
    }
    %scan3A_52 = arith.constant 40 : i32
    %add3A_53 = arith.constant 25344 : i32
    %add3A_54 = arith.addi %mul3A_2, %add3A_53 : i32
    %dma_wait3A = arith.constant 3 : i32
    %dma_wait3A_55 = arith.constant 3 : i32
    %dma_wait3A_56 = arith.constant 0 : i32
    %dma_wait3A_57 = arith.constant 0 : i32
    %dma_wait3A_58 = tpu.memref_slice %arg6[%dma_wait3A, %dma_wait3A_56, %dma_wait3A_57] : memref<5x128x128xf32, #tpu.memory_space<vmem>> -> memref<1x128x128xf32, #tpu.memory_space<vmem>>
    %dma_wait3A_59 = tpu.memref_squeeze %dma_wait3A_58 : memref<1x128x128xf32, #tpu.memory_space<vmem>> -> memref<128x128xf32, #tpu.memory_space<vmem>>
    %dma_wait3A_60 = arith.constant 0 : i32
    %dma_wait3A_61 = tpu.memref_slice %arg4[%add3A_54, %dma_wait3A_60] : memref<819200x128xf32, #tpu.memory_space<hbm>> -> memref<128x128xf32, #tpu.memory_space<hbm>>
    %dma_wait3A_62 = tpu.memref_slice %arg9[%dma_wait3A_55] : memref<5x!tpu.dma_semaphore, #tpu.memory_space<semaphore_mem>> -> memref<1x!tpu.dma_semaphore, #tpu.memory_space<semaphore_mem>>
    %dma_wait3A_63 = tpu.memref_squeeze %dma_wait3A_62 : memref<1x!tpu.dma_semaphore, #tpu.memory_space<semaphore_mem>> -> memref<!tpu.dma_semaphore, #tpu.memory_space<semaphore_mem>>
    %dma_wait3A_64 = arith.constant 0 : i32
    %dma_wait3A_65 = tpu.memref_slice %arg4[%add3A_54, %dma_wait3A_64] : memref<819200x128xf32, #tpu.memory_space<hbm>> -> memref<128x128xf32, #tpu.memory_space<hbm>>
    %dma_wait3A_66 = arith.constant 0 : i32
    %dma_wait3A_67 = arith.constant 0 : i32
    %dma_wait3A_68 = tpu.memref_slice %arg6[%dma_wait3A, %dma_wait3A_66, %dma_wait3A_67] : memref<5x128x128xf32, #tpu.memory_space<vmem>> -> memref<1x128x128xf32, #tpu.memory_space<vmem>>
    %dma_wait3A_69 = tpu.memref_squeeze %dma_wait3A_68 : memref<1x128x128xf32, #tpu.memory_space<vmem>> -> memref<128x128xf32, #tpu.memory_space<vmem>>
    tpu.wait_dma2 semaphore(%dma_wait3A_63 : memref<!tpu.dma_semaphore, #tpu.memory_space<semaphore_mem>>) src(%dma_wait3A_69 : memref<128x128xf32, #tpu.memory_space<vmem>>) dst(%dma_wait3A_65 : memref<128x128xf32, #tpu.memory_space<hbm>>)
    %add3A_70 = arith.constant 25472 : i32
    %add3A_71 = arith.addi %mul3A_2, %add3A_70 : i32
    %dma_wait3A_72 = arith.constant 4 : i32
    %dma_wait3A_73 = arith.constant 4 : i32
    %dma_wait3A_74 = arith.constant 0 : i32
    %dma_wait3A_75 = arith.constant 0 : i32
    %dma_wait3A_76 = tpu.memref_slice %arg6[%dma_wait3A_72, %dma_wait3A_74, %dma_wait3A_75] : memref<5x128x128xf32, #tpu.memory_space<vmem>> -> memref<1x128x128xf32, #tpu.memory_space<vmem>>
    %dma_wait3A_77 = tpu.memref_squeeze %dma_wait3A_76 : memref<1x128x128xf32, #tpu.memory_space<vmem>> -> memref<128x128xf32, #tpu.memory_space<vmem>>
    %dma_wait3A_78 = arith.constant 0 : i32
    %dma_wait3A_79 = tpu.memref_slice %arg4[%add3A_71, %dma_wait3A_78] : memref<819200x128xf32, #tpu.memory_space<hbm>> -> memref<128x128xf32, #tpu.memory_space<hbm>>
    %dma_wait3A_80 = tpu.memref_slice %arg9[%dma_wait3A_73] : memref<5x!tpu.dma_semaphore, #tpu.memory_space<semaphore_mem>> -> memref<1x!tpu.dma_semaphore, #tpu.memory_space<semaphore_mem>>
    %dma_wait3A_81 = tpu.memref_squeeze %dma_wait3A_80 : memref<1x!tpu.dma_semaphore, #tpu.memory_space<semaphore_mem>> -> memref<!tpu.dma_semaphore, #tpu.memory_space<semaphore_mem>>
    %dma_wait3A_82 = arith.constant 0 : i32
    %dma_wait3A_83 = tpu.memref_slice %arg4[%add3A_71, %dma_wait3A_82] : memref<819200x128xf32, #tpu.memory_space<hbm>> -> memref<128x128xf32, #tpu.memory_space<hbm>>
    %dma_wait3A_84 = arith.constant 0 : i32
    %dma_wait3A_85 = arith.constant 0 : i32
    %dma_wait3A_86 = tpu.memref_slice %arg6[%dma_wait3A_72, %dma_wait3A_84, %dma_wait3A_85] : memref<5x128x128xf32, #tpu.memory_space<vmem>> -> memref<1x128x128xf32, #tpu.memory_space<vmem>>
    %dma_wait3A_87 = tpu.memref_squeeze %dma_wait3A_86 : memref<1x128x128xf32, #tpu.memory_space<vmem>> -> memref<128x128xf32, #tpu.memory_space<vmem>>
    tpu.wait_dma2 semaphore(%dma_wait3A_81 : memref<!tpu.dma_semaphore, #tpu.memory_space<semaphore_mem>>) src(%dma_wait3A_87 : memref<128x128xf32, #tpu.memory_space<vmem>>) dst(%dma_wait3A_83 : memref<128x128xf32, #tpu.memory_space<hbm>>)
    %add3A_88 = arith.constant 25216 : i32
    %add3A_89 = arith.addi %mul3A_2, %add3A_88 : i32
    %dma_wait3A_90 = arith.constant 0 : i32
    %dma_wait3A_91 = tpu.memref_slice %arg4[%add3A_89, %dma_wait3A_90] : memref<819200x128xf32, #tpu.memory_space<hbm>> -> memref<128x128xf32, #tpu.memory_space<hbm>>
    %dma_wait3A_92 = arith.constant 0 : i32
    %dma_wait3A_93 = arith.constant 0 : i32
    %dma_wait3A_94 = tpu.memref_slice %arg7[%arg1, %dma_wait3A_92, %dma_wait3A_93] : memref<16x128x128xf32, #tpu.memory_space<vmem_shared>> -> memref<1x128x128xf32, #tpu.memory_space<vmem_shared>>
    %dma_wait3A_95 = tpu.memref_squeeze %dma_wait3A_94 : memref<1x128x128xf32, #tpu.memory_space<vmem_shared>> -> memref<128x128xf32, #tpu.memory_space<vmem_shared>>
    tpu.wait_dma2 semaphore(%arg10 : memref<!tpu.dma_semaphore, #tpu.memory_space<semaphore_mem>>) src(%dma_wait3A_95 : memref<128x128xf32, #tpu.memory_space<vmem_shared>>) dst(%dma_wait3A_91 : memref<128x128xf32, #tpu.memory_space<hbm>>)
    return
  }
}

</mosaic_0001>

<sc_bundles>
// kernel: kernel.3.cloned.1.call-start
scs
__scs_entry_jumppad:
0x0: {  	(pc) =	sbr.rel $0x88, $3  }
0x1: {  	(tag) =	ssettag $0x0;
	lr =	simm.s32 $0x1  }
0x2: {  	[smem:$0x3F9F] =	sst lr;
	_ =	strace $0xD0000000  }
0x3: {  	_ = 	snop  }
0x4: {  	_ = 	snop  }
0x5: {  	_ = 	snop  }
0x6: {  	_ = 	snop  }
0x7: {  	_ = 	snop  }
__scs_overlays_trampoline_lowered:
0x8: {  	[smem:$0x3FAE] =	sst s0  }
0x9: {  	[smem:$0x3FAF] =	sst s1  }
0xa: {  	[smem:$0x3FB0] =	sst s2  }
0xb: {  	[smem:$0x3FB1] =	sst s3  }
0xc: {  	[smem:$0x3FB2] =	sst s4  }
0xd: {  	[smem:$0x3FB3] =	sst s5  }
0xe: {  	[smem:$0x3FB4] =	sst s6  }
0xf: {  	[smem:$0x3FB5] =	sst s7  }
0x10: {  	[smem:$0x3FB6] =	sst s8  }
0x11: {  	[smem:$0x3FB7] =	sst s9;
	s0 =	simm.s32 @!p0 $0x0  }
0x12: {  	s1 =	sld [smem:$0x3F9D];
	s0 =	simm.s32 @p0 $0x1  }
0x13: {  	[smem:$0x3FB8] =	sst s0;
	s0 =	simm.s32 @!p1 $0x0  }
0x14: {  	s2 =	sld [smem:$0x3F9C];
	s0 =	simm.s32 @p1 $0x1  }
0x15: {  	[smem:$0x3FB9] =	sst s0;
	s0 =	simm.s32 @!p2 $0x0  }
0x16: {  	s3 =	sld [smem:$0x3FDB];
	s0 =	simm.s32 @p2 $0x1  }
0x17: {  	s4 =	simm.s32 $0x1BF5;
	[smem:$0x3FBB] =	sst s0  }
0x18: {  	s0 =	sld [smem:$0x3F9E];
	_ =	swait.ge [sflag:s4], $0x0  }
0x19: {  	s7 =	sld [smem:$0x3F9F]  }
0x1a: {  	s8 =	sadd.s32 $0xFFFFE003, lr  }
0x1b: {  	s9 =	sadd.s32 $0xFFFFFEF7, lr;
	s5 =	simm.s32 $0xFFFFFFFF;
	p2 =	slt.u32 s8, $0xFFFFF086  }
0x1c: {  	p1 =	slt.u32 s9, $0xF7A;
	s5 =	simm.s32 @!p2 $0x0  }
0x1d: {  	s5 =	simm.s32 @p1 $0x1;
	p0 =	seq.s32 s7, s2  }
0x1e: {  	s7 =	smul.u32 @!p0 $0xF7A, s2;
	p2 =	seq.s32 @!p0 s5, $0x0  }
0x1f: {  	s9 =	smul.u32 $0xF7A, s1;
	s8 =	simm.s32 @!p0 $0x1BF5;
	p2 =	por !p2, p0  }
0x20: {  	[sflag:s8] =	ssyncset.s32 @!p0 $0xFFFFF086;
	s6 =	sadd.s32 @!p0 s3, s7;
	s7 =	simm.s32 @!p0 $0x108  }
0x21: {  	s3 =	sadd.s32 s3, s9;
	s6 =	sadd.s32 @!p0 $0x88, s6;
	s7 =	simm.s32 @p2 $0x1082  }
0x22: {  	[simem:s7], [sflag:s8] =	dma.local @!p0 [hbm:s6], $0xF7A  }
0x23: {  	s9 =	sor.u32 $0xD0000000, s2;
	s6 =	simm.s32 $0x108;
	_ =	swait.ge @!p0 [sflag:s8], $0x0  }
0x24: {  	s3 =	sadd.s32 $0x88, s3;
	s6 =	simm.s32 @!p1 $0x1082;
	[sflag:s4] =	ssyncset.s32 $0xFFFFF086  }
0x25: {  	[simem:s6], [sflag:s4] =	dma.local [hbm:s3], $0xF7A  }
0x26: {  	[smem:$0x3F9F] =	sst s1;
	(tag) =	ssettag s2;
	_ =	strace s9  }
0x27: {  	s1 =	sld [smem:$0x3FAF]  }
0x28: {  	s2 =	sld [smem:$0x3FB0]  }
0x29: {  	s4 =	sld [smem:$0x3FB2]  }
0x2a: {  	p0 =	seq.s32 s5, $0x0;
	s5 =	sld [smem:$0x3FB3]  }
0x2b: {  	s6 =	sld [smem:$0x3FB4]  }
0x2c: {  	s7 =	sld [smem:$0x3FB5]  }
0x2d: {  	s3 =	simm.s32 $0x108;
	s8 =	sld [smem:$0x3FB6]  }
0x2e: {  	s3 =	simm.s32 @!p0 $0x1082;
	s9 =	sld [smem:$0x3FB7]  }
0x2f: {  	lr =	sadd.s32 s0, s3;
	s0 =	sld [smem:$0x3FAE]  }
0x30: {  	s3 =	sld [smem:$0x3FB1]  }
0x31: {  	[smem:$0x3FBA] =	sst s10  }
0x32: {  	s10 =	sld [smem:$0x3FB8];
	_ =	sdelay $0x3  }
0x33: {  	p0 =	seq.s32 s10, $0x1;
	s10 =	sld [smem:$0x3FBA];
	_ =	sdelay $0x3  }
0x34: {  	[smem:$0x3FBA] =	sst s10  }
0x35: {  	s10 =	sld [smem:$0x3FB9];
	_ =	sdelay $0x3  }
0x36: {  	p1 =	seq.s32 s10, $0x1;
	s10 =	sld [smem:$0x3FBA];
	_ =	sdelay $0x3  }
0x37: {  	[smem:$0x3FBA] =	sst s10  }
0x38: {  	s10 =	sld [smem:$0x3FBB]  }
0x39: {  	_ = 	snop;
	(pc) =	sbr.ind lr, $3  }
0x3a: {  	_ = 	snop  }
0x3b: {  	_ = 	snop  }
0x3c: {  	p2 =	seq.s32 s10, $0x1;
	s10 =	sld [smem:$0x3FBA]  }
0x3d: {  	_ =	shalt  }
0x3e: {  	_ =	shalt  }
0x3f: {  	_ =	shalt  }
0x40: {  	_ =	shalt  }
0x41: {  	_ =	shalt  }
0x42: {  	_ =	shalt  }
0x43: {  	_ =	shalt  }
0x44: {  	_ =	shalt  }
0x45: {  	_ =	shalt  }
0x46: {  	_ =	shalt  }
0x47: {  	_ =	shalt  }
0x48: {  	_ =	shalt  }
0x49: {  	_ =	shalt  }
0x4a: {  	_ =	shalt  }
0x4b: {  	_ =	shalt  }
0x4c: {  	_ =	shalt  }
0x4d: {  	_ =	shalt  }
0x4e: {  	_ =	shalt  }
0x4f: {  	_ =	shalt  }
0x50: {  	_ =	shalt  }
0x51: {  	_ =	shalt  }
0x52: {  	_ =	shalt  }
0x53: {  	_ =	shalt  }
0x54: {  	_ =	shalt  }
0x55: {  	_ =	shalt  }
0x56: {  	_ =	shalt  }
0x57: {  	_ =	shalt  }
0x58: {  	_ =	shalt  }
0x59: {  	_ =	shalt  }
0x5a: {  	_ =	shalt  }
0x5b: {  	_ =	shalt  }
0x5c: {  	_ =	shalt  }
0x5d: {  	_ =	shalt  }
0x5e: {  	_ =	shalt  }
0x5f: {  	_ =	shalt  }
0x60: {  	_ =	shalt  }
0x61: {  	_ =	shalt  }
0x62: {  	_ =	shalt  }
0x63: {  	_ =	shalt  }
0x64: {  	_ =	shalt  }
0x65: {  	_ =	shalt  }
0x66: {  	_ =	shalt  }
0x67: {  	_ =	shalt  }
0x68: {  	_ =	shalt  }
0x69: {  	_ =	shalt  }
0x6a: {  	_ =	shalt  }
0x6b: {  	_ =	shalt  }
0x6c: {  	_ =	shalt  }
0x6d: {  	_ =	shalt  }
0x6e: {  	_ =	shalt  }
0x6f: {  	_ =	shalt  }
0x70: {  	_ =	shalt  }
0x71: {  	_ =	shalt  }
0x72: {  	_ =	shalt  }
0x73: {  	_ =	shalt  }
0x74: {  	_ =	shalt  }
0x75: {  	_ =	shalt  }
0x76: {  	_ =	shalt  }
0x77: {  	_ =	shalt  }
0x78: {  	_ =	shalt  }
0x79: {  	_ =	shalt  }
0x7a: {  	_ =	shalt  }
0x7b: {  	_ =	shalt  }
0x7c: {  	_ =	shalt  }
0x7d: {  	_ =	shalt  }
0x7e: {  	_ =	shalt  }
0x7f: {  	_ =	shalt  }
0x80: {  	_ =	shalt  }
0x81: {  	_ =	shalt  }
0x82: {  	_ =	shalt  }
0x83: {  	_ =	shalt  }
0x84: {  	_ =	shalt  }
0x85: {  	_ =	shalt  }
0x86: {  	_ =	shalt  }
0x87: {  	_ =	shalt  }
.Lfunc_end0:
.L_simem_size_0:
called_computation_lowered:
.L_overlay_start_0:
0x88: {  	s2 =	sld [smem:$0x3FD9]  }
0x89: {  	s3 =	sld [smem:$0x3FFE];
	_ =	sdelay $0x1  }
0x8a: {  	s1 =	srdreg.scid  }
0x8b: {  	s0 =	sand.u32 $0x1, s1  }
0x8c: {  	s17 =	sshll.u32 s0, $0xA;
	s2 =	sadd.s32 s3, s2  }
0x8d: {  	s2 =	sadd.s32 s2, s17  }
0x8e: {  	[smem:$0x3FC6] =	sst s2  }
0x8f: {  	_ = 	snop  }
0x90: {  	s2 =	sld [smem:$0x3FC8]  }
0x91: {  	s18 =	sld [smem:$0x3FD0];
	(tm) =	ssettm $0x1  }
0x92: {  	s4 =	sld [smem:$0x3FFB];
	_ =	sdelay $0x3  }
0x93: {  	_ =	strace s4  }
0x94: {  	s4 =	sld [smem:$0x3FFC];
	_ =	sdelay $0x3  }
0x95: {  	_ =	strace s4  }
0x96: {  	s4 =	sld [smem:$0x3FFD];
	_ =	sdelay $0x3  }
0x97: {  	_ =	strace s4  }
0x98: {  	_ =	strace $0x8FFFFFFF  }
0x99: {  	s19 =	sld [smem:$0x3FDB];
	_ =	sdelay $0x1  }
0x9a: {  	s5 =	simm.s32 $_scs_section_size  }
0x9b: {  	s6 =	simm.s32 $_size__tile_overlayer_lowered;
	s7 =	simm.s32 $_tile_overlayer_lowered  }
0x9c: {  	s22 =	simm.s32 $0x1BFF;
	s21 =	sshll.u32 s7, $0x1;
	s4 =	sadd.s32 s5, s19  }
0x9d: {  	s8 =	simm.s32 $0x0;
	s20 =	sshll.u32 s6, $0x1;
	s6 =	sadd.s32 s21, s4  }
0x9e: {  	[timem:s8], [sflag:s22] =	dma.local [hbm:s6], s20  }
0x9f: {  	_ =	swait.ge [sflag:s22], s20  }
0xa0: {  	s5 =	ssub.s32 $0x0, s20;
	[sflag:s22] =	ssyncset.done $0x0  }
0xa1: {  	[sflag:s22] =	ssyncadd.s32 s5;
	_ =	sdelay $0x1  }
0xa2: {  	s23 =	simm.s32 $0x1B8B  }
0xa3: {  	_ =	swait.ge [sflag:s23], $0x1  }
0xa4: {  	[sflag:s23] =	ssyncset.done $0x0  }
0xa5: {  	s25 =	simm.s32 $0x1B8E;
	s24 =	sld [smem:$0x3FFE];
	[sflag:s23] =	ssyncadd.s32 $0xFFFFFFFF  }
0xa6: {  	s26 =	simm.s32 $execute0_lowered;
	[smem:$0x3FD2] =	sst s25  }
0xa7: {  	s6 =	sshll.u32 s26, $0x1;
	_ =	strace $0x80000046;
	[dreg:$0x1] =	wrdreg $0xFFFFFFFF  }
0xa8: {  	s28 =	simm.s32 $_size_execute0_lowered;
	s4 =	sadd.s32 s4, s6;
	[dreg:$0x0] =	wrdreg $0x0  }
0xa9: {  	s6 =	sshll.u32 s28, $0x1;
	[dreg:$0x2] =	wrdreg s4  }
0xaa: {  	[dreg:$0x3] =	wrdreg s6  }
0xab: {  	[dreg:$0x4] =	wrdreg $0xC0  }
0xac: {  	_ =	task [dreg:s8], $0x5FFFF  }
0xad: {  	[dreg:$0x1] =	wrdreg $0xFFFFFFFF  }
0xae: {  	[dreg:$0x0] =	wrdreg $0x60  }
0xaf: {  	[dreg:$0x2] =	wrdreg s24  }
0xb0: {  	[dreg:$0x3] =	wrdreg s2  }
0xb1: {  	[dreg:$0x4] =	wrdreg s18  }
0xb2: {  	[dreg:$0x5] =	wrdreg $0x1A4000  }
0xb3: {  	[dreg:$0x6] =	wrdreg $0x9  }
0xb4: {  	_ =	task.clear_ibuf [dreg:s8], $0x7FFFF;
	_ =	strace $0x90000046  }
0xb5: {  	s29 =	simm.s32 $0x9;
	_ =	strace $0x80000048  }
0xb6: {  	_ =	swait.ge [sflag:s29], $0x1  }
0xb7: {  	[sflag:s29] =	ssyncadd.s32 $0xFFFFFFFF  }
0xb8: {  	_ =	strace $0x90000048  }
0xb9: {  	_ =	sfence  }
0xba: {  	s30 =	sld [smem:$0x0];
	_ =	sdelay $0x2  }
0xbb: {  	s31 =	sshll.u32 s1, $0xD;
	s1 =	sshrl.u32 s1, $0x2  }
0xbc: {  	s3 =	sand.u32 $0x4000, s31;
	s1 =	sadd.s32 s1, s30  }
0xbd: {  	s0 =	sor.u32 s3, s0;
	s1 =	sshll.u32 s1, $0x11  }
0xbe: {  	s0 =	sor.u32 s1, s0  }
0xbf: {  	s0 =	sadd.s32 $0x8F2B, s0  }
0xc0: {  	[sflag:s0] =	ssyncadd.remote.s32 $0x1  }
0xc1: {  	_ =	sfence.sel $0xFFFF  }
0xc2: {  	[dreg:$0x0] =	wrdreg $0xFFFFFFFF;
	(pc) =	sbr.abs _section_cstart, $3  }
0xc3: {  	[dreg:$0x1] =	wrdreg $0xFFFFFFFF  }
0xc4: {  	_ =	task.clear_ibuf [dreg:s8], $0x2FFFF;
	_ =	strace $0x9FFFFFFF  }
0xc5: {  	(tm) =	ssettm $0x7FFFFFFF  }
tec
execute0_lowered:
.L_overlay_start_1:
0x0: {  	(tag) =	ssettag $0x1  }
0x1: {  	s0 =	rddreg [dreg:$0x0]  }
0x2: {  	s1 =	rddreg [dreg:$0x1]  }
0x3: {  	s2 =	srdreg.scid;
	s4 =	rddreg [dreg:$0x2]  }
0x4: {  	s10 =	stileid.u32;
	s5 =	rddreg [dreg:$0x3];
	s12 =	simm.s32 $0xC  }
0x5: {  	s13 =	simm.s32 $0x80;
	s14 =	simm.s32 $0x6400;
	s28 =	simm.s32 $0x7  }
0x6: {  	s29 =	simm.s32 $0x5;
	s2 =	sand.u32 $0x1, s2;
	s8 =	smul.u32 $0x640000, s10  }
0x7: {  	s3 =	sshll.u32 s10, $0x1;
	s16 =	sshll.u32 s10, $0xE;
	s17 =	smul.u32 $0xC8000, s10  }
0x8: {  	s31 =	sshll.u32 s10, $0x6;
	s6 =	sor.u32 s2, s3;
	s9 =	smul.u32 $0x320000, s2  }
0x9: {  	s3 =	simm.s32 $0x0;
	s7 =	ssub.s32 $0x2, s2;
	s18 =	smul.u32 $0x64000, s2  }
0xa: {  	s5 =	sadd.s32 s16, s5;
	s6 =	smul.u32 $0x6400, s6;
	[smem:$0x7FF] =	sst s3  }
0xb: {  	s15 =	sshrl.u32 s7, $0x1;
	s20 =	sadd.s32 s17, s4;
	s17 =	simm.s32 $0xE400  }
0xc: {  	_ =	strace $0x80000047;
	s8 =	sadd.s32 s9, s8;
	s6 =	sshrl.u32 s6, $0x3  }
0xd: {  	s19 =	sor.u32 $0x10000, s8;
	s22 =	sor.u32 $0xC000, s8;
	s23 =	sor.u32 $0x8000, s8  }
0xe: {  	s24 =	sor.u32 $0x4000, s8;
	s0 =	sadd.s32 s6, s0;
	s6 =	ssub.s32 s7, s15  }
0xf: {  	s2 =	sshrl.u32 s19, $0x3;
	s25 =	sshrl.u32 s23, $0x3;
	s26 =	sshrl.u32 s24, $0x3  }
0x10: {  	s15 =	simm.s32 $0xA400;
	s19 =	simm.s32 $0x12400;
	s0 =	sadd.s32 $0x400, s0  }
0x11: {  	s23 =	sor.u32 $0x1C0B, s31;
	s6 =	smax.u32 s6, $0x1;
	[dreg:$0x5] =	wrdreg s0  }
0x12: {  	s24 =	sshrl.u32 s5, $0x3;
	s21 =	sadd.s32 s2, s4;
	[dreg:$0x6] =	wrdreg s6  }
0x13: {  	s30 =	sadd.s32 s26, s4;
	s26 =	simm.s32 $0x4;
	[dreg:$0x8] =	wrdreg s21  }
.Ltmp0:
0x14: {  	s0 =	sadd.s32 s18, s20;
	[dreg:$0xb] =	wrdreg s30;
	(pc) =	sbr.rel .LBB2_1-.Ltmp0, $4  }
0x15: {  	s18 =	simm.s32 $0x1;
	[dreg:$0x7] =	wrdreg s0;
	s0 =	sshrl.u32 s22, $0x3  }
0x16: {  	s20 =	simm.s32 $0x2;
	s21 =	simm.s32 $0x16400;
	s0 =	sadd.s32 s0, s4  }
0x17: {  	s22 =	simm.s32 $0x3;
	[dreg:$0x9] =	wrdreg s0;
	s0 =	sadd.s32 s25, s4  }
0x18: {  	s25 =	simm.s32 $0x6;
	[dreg:$0xa] =	wrdreg s0;
	s0 =	simm.s32 $0x0  }
.LBB2_4:
0x19: {  	s2 =	simm.s32 $0x9  }
0x1a: {  	_ =	swait.ge [sflag:s2], $0x4000  }
0x1b: {  	[sflag:s2] =	ssyncset.done $0x0  }
0x1c: {  	s30 =	simm.s32 $0xA;
	[sflag:s2] =	ssyncadd.s32 $0xFFFFC000  }
0x1d: {  	_ =	swait.ge [sflag:s30], $0x4000  }
0x1e: {  	[sflag:s30] =	ssyncset.done $0x0  }
0x1f: {  	s4 =	simm.s32 $0xB;
	[sflag:s30] =	ssyncadd.s32 $0xFFFFC000  }
0x20: {  	_ =	swait.ge [sflag:s4], $0x800  }
0x21: {  	s0 =	sadd.s32 $0x1, s0;
	s31 =	rddreg [dreg:$0x6]  }
0x22: {  	p0 =	sne.s32 s0, s31  }
.Ltmp1:
0x23: {  	_ = 	snop;
	(pc) =	sbr.rel @!p0 .LBB2_5-.Ltmp1, $3  }
0x24: {  	_ =	sdelay $0x1  }
0x25: {  	[sflag:s4] =	ssyncset.done $0x0  }
0x26: {  	[sflag:s4] =	ssyncadd.s32 $0xFFFFF800  }
.LBB2_1:
0x27: {  	s2 =	rddreg [dreg:$0x5]  }
0x28: {  	[tilespmem:s3], [sflag:$0xC] =	stream.linear.gather [hbm4b:s2+s3], $0x6400, $0x38;
	[tilespmem:$0x1E400] =	vst v63  }
0x29: {  	_ =	swait.ge [sflag:s12], $0x6400  }
0x2a: {  	s11 =	rddreg [dreg:$0xb]  }
0x2b: {  	[sflag:s12] =	ssyncset.done $0x0;
	s10 =	rddreg [dreg:$0xa]  }
0x2c: {  	s9 =	rddreg [dreg:$0x9];
	[sflag:s12] =	ssyncadd.s32 $0xFFFF9C00  }
0x2d: {  	[tilespmem:s14], [sflag:$0x1] =	stream.indirect.gather [hbm4b:s1+s13], $0x80, s3, s13, $0xb8;
	[tilespmem:$0x1E400] =	vst v63  }
0x2e: {  	s8 =	rddreg [dreg:$0x8]  }
0x2f: {  	[tilespmem:s15], [sflag:$0x2] =	stream.indirect.gather [hbm4b:s1+s13], $0x80, s13, s13, $0xb8;
	[tilespmem:$0x1E400] =	vst v63  }
0x30: {  	s31 =	simm.s32 $0x100;
	s6 =	simm.s32 $0x0;
	s7 =	rddreg [dreg:$0x7]  }
0x31: {  	[tilespmem:s17], [sflag:$0x3] =	stream.indirect.gather [hbm4b:s1+s13], $0x80, s31, s13, $0xb8;
	[tilespmem:$0x1E400] =	vst v63  }
.LBB2_2:
0x32: {  	_ =	swait.ge [sflag:s18], $0x4000  }
0x33: {  	p0 =	seq.s32 s6, $0x0;
	[sflag:s18] =	ssyncset.done $0x0  }
0x34: {  	s16 =	simm.s32 @!p0 $0x9;
	[sflag:s18] =	ssyncadd.s32 $0xFFFFC000  }
0x35: {  	[hbm4b:s7+s3] =	stream.linear.scatter [tilespmem:s14], [sflag:$0x6], $0x4000, $0x38;
	[tilespmem:$0x1E400] =	vst v63  }
0x36: {  	_ =	swait.ge @!p0 [sflag:s16], $0x4000  }
0x37: {  	s4 =	sshra.s32 s6, $0x2;
	[sflag:s16] =	ssyncset.done @!p0 $0x0  }
0x38: {  	s30 =	sadd.s32 $0x180, s4;
	[sflag:s16] =	ssyncadd.s32 @!p0 $0xFFFFC000  }
0x39: {  	[tilespmem:s19], [sflag:$0x4] =	stream.indirect.gather [hbm4b:s1+s13], $0x80, s30, s13, $0xb8;
	[tilespmem:$0x1E400] =	vst v63  }
0x3a: {  	_ =	swait.ge [sflag:s20], $0x4000  }
0x3b: {  	[sflag:s20] =	ssyncset.done $0x0  }
0x3c: {  	s16 =	simm.s32 @!p0 $0xA;
	[sflag:s20] =	ssyncadd.s32 $0xFFFFC000  }
0x3d: {  	[hbm4b:s11+s3] =	stream.linear.scatter [tilespmem:s15], [sflag:$0x7], $0x4000, $0x38;
	[tilespmem:$0x1E400] =	vst v63  }
0x3e: {  	_ =	swait.ge @!p0 [sflag:s16], $0x4000  }
0x3f: {  	[sflag:s16] =	ssyncset.done @!p0 $0x0  }
0x40: {  	s31 =	sadd.s32 $0x200, s4;
	[sflag:s16] =	ssyncadd.s32 @!p0 $0xFFFFC000  }
0x41: {  	[tilespmem:s21], [sflag:$0x5] =	stream.indirect.gather [hbm4b:s1+s13], $0x80, s31, s13, $0xb8;
	[tilespmem:$0x1E400] =	vst v63  }
0x42: {  	_ =	swait.ge [sflag:s22], $0x4000  }
0x43: {  	[sflag:s22] =	ssyncset.done $0x0  }
0x44: {  	s16 =	simm.s32 @!p0 $0xB;
	[sflag:s22] =	ssyncadd.s32 $0xFFFFC000  }
0x45: {  	_ =	swait.ge @!p0 [sflag:s16], $0x800  }
0x46: {  	[sflag:s16] =	ssyncset.done @!p0 $0x0  }
0x47: {  	[sflag:s16] =	ssyncadd.s32 @!p0 $0xFFFFF800  }
0x48: {  	[spmem:s5] =	stream.linear.scatter [tilespmem:s17], [sflag:$0xC], $0x4000, $0x38;
	[tilespmem:$0x1E400] =	vst v63  }
0x49: {  	_ =	swait.ge [sflag:s12], $0x4000  }
0x4a: {  	[sflag:s12] =	ssyncset.done $0x0  }
0x4b: {  	[sflag:s12] =	ssyncadd.s32 $0xFFFFC000  }
0x4c: {  	[hbm:s10], [sflag:s23] =	dma.local [spmem:s24], $0x800  }
0x4d: {  	p0 =	seq.s32 s6, $0x18600;
	_ =	swait.ge [sflag:s25], $0x4000  }
0x4e: {  	s16 =	sshra.s32 @!p0 s6, $0x2;
	s31 =	simm.s32 @!p0 $0x80;
	[sflag:s25] =	ssyncset.done $0x0  }
0x4f: {  	s2 =	simm.s32 @!p0 $0x6400;
	s30 =	sadd.s32 @!p0 $0x280, s16;
	[sflag:s25] =	ssyncadd.s32 $0xFFFFC000  }
0x50: {  	[tilespmem:s2], [sflag:$0x1] =	stream.indirect.gather @!p0 [hbm4b:s1+s31], $0x80, s30, s31, $0xb8;
	[tilespmem:$0x1E400] =	vst v63  }
0x51: {  	_ =	swait.ge [sflag:s26], $0x4000  }
0x52: {  	[sflag:s26] =	ssyncset.done $0x0  }
0x53: {  	[sflag:s26] =	ssyncadd.s32 $0xFFFFC000  }
0x54: {  	[hbm4b:s9+s3] =	stream.linear.scatter [tilespmem:s19], [sflag:$0x9], $0x4000, $0x38;
	[tilespmem:$0x1E400] =	vst v63  }
0x55: {  	_ =	swait.ge [sflag:s28], $0x4000  }
0x56: {  	[sflag:s28] =	ssyncset.done $0x0  }
0x57: {  	s2 =	sadd.s32 @!p0 $0x300, s16;
	s16 =	simm.s32 @!p0 $0xA400;
	[sflag:s28] =	ssyncadd.s32 $0xFFFFC000  }
0x58: {  	[tilespmem:s16], [sflag:$0x2] =	stream.indirect.gather @!p0 [hbm4b:s1+s31], $0x80, s2, s31, $0xb8;
	[tilespmem:$0x1E400] =	vst v63  }
.Ltmp2:
0x59: {  	_ = 	snop;
	(pc) =	sbr.rel @p0 .LBB2_4-.Ltmp2, $4  }
0x5a: {  	_ =	swait.ge [sflag:s29], $0x4000  }
0x5b: {  	[sflag:s29] =	ssyncset.done $0x0  }
0x5c: {  	[sflag:s29] =	ssyncadd.s32 $0xFFFFC000  }
0x5d: {  	[hbm4b:s8+s3] =	stream.linear.scatter [tilespmem:s21], [sflag:$0xA], $0x4000, $0x38;
	[tilespmem:$0x1E400] =	vst v63  }
.Ltmp3:
0x5e: {  	(pc) =	sbr.rel .LBB2_2-.Ltmp3, $4  }
0x5f: {  	s2 =	sadd.s32 $0x380, s4  }
0x60: {  	s6 =	sadd.s32 $0xA00, s6;
	s7 =	sadd.s32 $0x2800, s7;
	s8 =	sadd.s32 $0x2800, s8  }
0x61: {  	s9 =	sadd.s32 $0x2800, s9;
	s10 =	sadd.s32 $0x2800, s10;
	s11 =	sadd.s32 $0x2800, s11  }
0x62: {  	[tilespmem:s17], [sflag:$0x3] =	stream.indirect.gather [hbm4b:s1+s13], $0x80, s2, s13, $0xb8;
	[tilespmem:$0x1E400] =	vst v63  }
.LBB2_5:
0x63: {  	_ =	sfence.sel $0x180000  }
0x64: {  	[bflag:$0x0] =	sbarrier.arrive $0xFFFF  }
0x65: {  	_ =	strace $0x90000047  }
0x66: {  	s0 =	stileid.u32;
	[bflag:$0x2] =	sbarrier.arrive $0xFFFF  }
0x67: {  	p0 =	sne.s32 s0, $0x0;
	s0 =	rddreg [dreg:$0x4]  }
0x68: {  	s0 =	sadd.s32 @!p0 $0x100000, s0  }
0x69: {  	[sflag:s0] =	ssyncadd.tile.s32 @!p0 $0x1;
	_ =	shalt  }
.Lfunc_end2:
_tile_overlayer_lowered:
.L_overlay_start_2:
0x6a: {  	(tag) =	ssettag $0x2  }
0x6b: {  	s0 =	rddreg [dreg:$0x0];
	s2 =	stileid.u32  }
0x6c: {  	s1 =	rddreg [dreg:$0x1];
	p0 =	sne.s32 s2, $0x0  }
0x6d: {  	s3 =	rddreg [dreg:$0x2];
	[bflag:$0x3] =	sbarrier.arrive $0xFFFF;
	s2 =	simm.s32 @!p0 $0x1C0C  }
0x6e: {  	[timem:s3], [sflag:s2] =	dma.local @!p0 [hbm:s0], s1  }
0x6f: {  	s0 =	simm.s32 @!p0 $0xC  }
0x70: {  	_ =	swait.ge @!p0 [sflag:s0], s1  }
0x71: {  	s1 =	ssub.s32 @!p0 $0x0, s1;
	[sflag:s0] =	ssyncset.done @!p0 $0x0  }
0x72: {  	[sflag:s0] =	ssyncadd.s32 @!p0 s1  }
0x73: {  	[bflag:$0x3] =	sbarrier.arrive $0xFFFF  }
0x74: {  	_ =	shalt  }

</sc_bundles>
